<compile_context>
chip_gen: v7x
topology: tpu7x:2x2x1
jax: 0.10.2.dev20260603
libtpu: 0.0.44.dev20260713+nightly
codegen_flags: <defaults>
</compile_context>

<pallas_src>
import math

import jax
import jax.numpy as jnp
from jax import lax
from jax.experimental import pallas as pl
from jax.experimental.pallas import tpu as pltpu
from jax.experimental.pallas import tpu_sc as plsc

G = 512
NC = 2
NS = 16
CHUNK = 128
NBUF = 2
GD = 1
IB = 8
BN = 80


def _make_sc_agg(Dh, CH, Npad, trows, feat_split):
    RPT = Npad // NS
    NBLK = CH // IB
    EPR = NS * CH
    assert NBLK % 2 == 0
    mesh = plsc.VectorSubcoreMesh(core_axis_name="c", subcore_axis_name="s")

    def body(table, srcg, dstg, zrow, agg_out,
             is0, is1, id0, id1, rows0, rows1, acc,
             isem0, isem1, rsem0, rsem1):
        c = lax.axis_index("c")
        s = lax.axis_index("s")
        isb = (is0, is1)
        idb = (id0, id1)
        rows = (rows0, rows1)
        isem = (isem0, isem1)
        rsem = (rsem0, rsem1)
        if feat_split:
            base_s = c * EPR + s * CH
            base_d = s * CH
        else:
            base_s = (c * NS + s) * CH
            base_d = base_s
        tview = table

        def fetch_idx(ch, p):
            pltpu.async_copy(srcg.at[pl.ds(base_s + ch, 1)], isb[p],
                             isem[p])
            pltpu.async_copy(dstg.at[pl.ds(base_d + ch, 1)], idb[p],
                             isem[p])

        def wait_idx(p):
            pltpu.make_async_copy(srcg.at[pl.ds(0, 1)], isb[p],
                                  isem[p]).wait()
            pltpu.make_async_copy(dstg.at[pl.ds(0, 1)], idb[p],
                                  isem[p]).wait()

        pltpu.sync_copy(zrow, acc.at[pl.ds(s * RPT, RPT)])
        fetch_idx(0, 0)
        fetch_idx(1, 1)
        wait_idx(0)
        pltpu.async_copy(tview.at[is0.at[0]], rows[0], rsem[0])
        plsc.subcore_barrier()

        def step(ch, b):
            nb = 1 - b

            @pl.when(ch + 1 < CH)
            def _():
                wait_idx(nb)
                pltpu.async_copy(tview.at[isb[nb].at[0]], rows[nb],
                                 rsem[nb])

            pltpu.make_async_copy(tview.at[isb[b].at[0]], rows[b],
                                  rsem[b]).wait()
            pltpu.sync_copy(rows[b], acc.at[idb[b].at[0]], add=True)

            @pl.when(ch + 2 < CH)
            def _():
                fetch_idx(ch + 2, b)

        def two_steps(m, carry):
            step(m * 2, 0)
            step(m * 2 + 1, 1)
            return carry

        lax.fori_loop(0, CH // 2, two_steps, 0)
        plsc.subcore_barrier()
        pltpu.sync_copy(acc.at[pl.ds(s * RPT, RPT)],
                        agg_out.at[c, pl.ds(s * RPT, RPT)])

    return pl.kernel(
        body,
        out_type=jax.ShapeDtypeStruct((NC, Npad, Dh), jnp.float32),
        mesh=mesh,
        scratch_types=[
            pltpu.VMEM((1, CHUNK), jnp.int32),
            pltpu.VMEM((1, CHUNK), jnp.int32),
            pltpu.VMEM((1, CHUNK), jnp.int32),
            pltpu.VMEM((1, CHUNK), jnp.int32),
            pltpu.VMEM((CHUNK, Dh), jnp.float32),
            pltpu.VMEM((CHUNK, Dh), jnp.float32),
            pltpu.VMEM_SHARED((Npad, Dh), jnp.float32),
            pltpu.SemaphoreType.DMA,
            pltpu.SemaphoreType.DMA,
            pltpu.SemaphoreType.DMA,
            pltpu.SemaphoreType.DMA,
        ],
    )


def _tc_layer1(N, D, TH, Hc, Npad):
    nb = N // BN

    def body(x_ref, alo, ahi, w, bvec, batch_r, bchunk, h_out, r_out):
        i = pl.program_id(0)
        hin = x_ref[...] + alo[0] + ahi[0]
        h = jnp.maximum(
            jnp.dot(hin, w[...], preferred_element_type=jnp.float32)
            + bvec[...], 0.0)
        h_out[0] = h[:, :D]
        h_out[1] = h[:, D:]
        bb = batch_r[0, 0, :]
        oh = (lax.broadcasted_iota(jnp.int32, (G, BN), 0)
              == bb[None, :]).astype(jnp.float32)

        @pl.when(i == 0)
        def _():
            r_out[...] = jnp.concatenate(
                [jnp.broadcast_to(bchunk[...], (G, bchunk.shape[1])),
                 jnp.zeros((G, TH - bchunk.shape[1]), jnp.float32)], axis=1)

        r_out[...] += jnp.dot(oh, h, preferred_element_type=jnp.float32)

    return pl.pallas_call(
        body,
        grid=(nb,),
        in_specs=[
            pl.BlockSpec((BN, D), lambda i: (i, 0)),
            pl.BlockSpec((1, BN, D), lambda i: (0, i, 0)),
            pl.BlockSpec((1, BN, D), lambda i: (1, i, 0)),
            pl.BlockSpec((D, TH), lambda i: (0, 0)),
            pl.BlockSpec((1, TH), lambda i: (0, 0)),
            pl.BlockSpec((1, 1, BN), lambda i: (i, 0, 0)),
            pl.BlockSpec((1, Hc), lambda i: (0, 0)),
        ],
        out_specs=[
            pl.BlockSpec((2, BN, D), lambda i: (0, i, 0)),
            pl.BlockSpec((G, TH), lambda i: (0, 0)),
        ],
        out_shape=[
            jax.ShapeDtypeStruct((2, N, D), jnp.float32),
            jax.ShapeDtypeStruct((G, TH), jnp.float32),
        ],
    )


def _tc_layer23(N, D, TH, Hc, Npad, write_h):
    nb = N // BN

    def body(hlo, hhi, alo, ahi, w, bvec, batch_r, bchunk, *outs):
        i = pl.program_id(0)
        if write_h:
            h_out, r_out = outs
        else:
            (r_out,) = outs
        hin = (jnp.concatenate([hlo[0], hhi[0]], axis=1)
               + jnp.concatenate([alo[0], ahi[0]], axis=1))
        h = jnp.maximum(
            jnp.dot(hin, w[...], preferred_element_type=jnp.float32)
            + bvec[...], 0.0)
        if write_h:
            h_out[0] = h[:, :D]
            h_out[1] = h[:, D:]
        bb = batch_r[0, 0, :]
        oh = (lax.broadcasted_iota(jnp.int32, (G, BN), 0)
              == bb[None, :]).astype(jnp.float32)

        @pl.when(i == 0)
        def _():
            r_out[...] = jnp.concatenate(
                [jnp.broadcast_to(bchunk[...], (G, bchunk.shape[1])),
                 jnp.zeros((G, TH - bchunk.shape[1]), jnp.float32)], axis=1)

        r_out[...] += jnp.dot(oh, h, preferred_element_type=jnp.float32)

    out_specs = [pl.BlockSpec((G, TH), lambda i: (0, 0))]
    out_shape = [jax.ShapeDtypeStruct((G, TH), jnp.float32)]
    if write_h:
        out_specs = [pl.BlockSpec((2, BN, D), lambda i: (0, i, 0))] + out_specs
        out_shape = [jax.ShapeDtypeStruct((2, N, D), jnp.float32)] + out_shape

    return pl.pallas_call(
        body,
        grid=(nb,),
        in_specs=[
            pl.BlockSpec((1, BN, D), lambda i: (0, i, 0)),
            pl.BlockSpec((1, BN, D), lambda i: (1, i, 0)),
            pl.BlockSpec((1, BN, D), lambda i: (0, i, 0)),
            pl.BlockSpec((1, BN, D), lambda i: (1, i, 0)),
            pl.BlockSpec((TH, TH), lambda i: (0, 0)),
            pl.BlockSpec((1, TH), lambda i: (0, 0)),
            pl.BlockSpec((1, 1, BN), lambda i: (i, 0, 0)),
            pl.BlockSpec((1, Hc), lambda i: (0, 0)),
        ],
        out_specs=out_specs,
        out_shape=out_shape,
    )


def kernel(x, edge_index, batch, W0, b0, W1, b1, W2, b2, bias):
    N, D = x.shape
    E = edge_index.shape[1]
    T, _, H = W0.shape
    TH = T * H
    L = 3

    CH1 = -(-E // (NC * NS * CHUNK))
    CH1 = -(-CH1 // (2 * IB)) * (2 * IB)
    Ep = NC * NS * CH1 * CHUNK
    CH2 = Ep // (NS * CHUNK)
    assert CH2 % (2 * IB) == 0
    align = (BN * NS * 8) // math.gcd(BN, NS * 8)
    Npad = -(-(N + 1) // align) * align
    assert N % BN == 0

    src = edge_index[0]
    dst = edge_index[1]
    pad = Ep - E
    srcp = jnp.concatenate([src, jnp.zeros((pad,), jnp.int32)])
    dstp = jnp.concatenate([dst, jnp.full((pad,), N, jnp.int32)])
    srcg = srcp.reshape(Ep // CHUNK, CHUNK)
    dstg = dstp.reshape(Ep // CHUNK, CHUNK)
    src2g = jnp.concatenate([srcp, srcp + N]).reshape(2 * Ep // CHUNK, CHUNK)

    W0c = W0.transpose(1, 0, 2).reshape(D, TH)
    b0c = b0.reshape(1, TH)
    W1bd = jax.scipy.linalg.block_diag(*[W1[t] for t in range(T)])
    W2bd = jax.scipy.linalg.block_diag(*[W2[t] for t in range(T)])
    b1c = b1.reshape(1, TH)
    b2c = b2.reshape(1, TH)
    batch3 = batch.reshape(N // BN, 1, BN)
    bias_c = [bias[:, 0, l * H:(l + 1) * H] for l in range(L)]

    zrow = jnp.zeros((Npad // NS, D), jnp.float32)

    agg_l1 = _make_sc_agg(D, CH1, Npad, N, feat_split=False)
    agg_l23 = _make_sc_agg(D, CH2, Npad, N, feat_split=True)
    tc1 = _tc_layer1(N, D, TH, H, Npad)
    tc2 = _tc_layer23(N, D, TH, H, Npad, write_h=True)
    tc3 = _tc_layer23(N, D, TH, H, Npad, write_h=False)

    agg1 = agg_l1(x, srcg, dstg, zrow)
    h1, r1 = tc1(x, agg1, agg1, W0c, b0c, batch3, bias_c[0])
    agg2 = agg_l23(h1.reshape(2 * N, D), src2g, dstg, zrow)
    h2, r2 = tc2(h1, h1, agg2, agg2, W1bd, b1c, batch3, bias_c[1])
    agg3 = agg_l23(h2.reshape(2 * N, D), src2g, dstg, zrow)
    (r3,) = tc3(h2, h2, agg3, agg3, W2bd, b2c, batch3, bias_c[2])

    out = jnp.stack([r.reshape(G, T, H) for r in (r1, r2, r3)], axis=2)
    return out.reshape(G, T, L * H)

# --- scband reference (transcript-rebuilt; emitter-appended) ---
"""Pipeline reference for scband-graph-neutral-ad-31447750541904 (READ-ONLY COPY).

The authoritative reference and input builder live on the scoring server;
editing this copy changes nothing except your own understanding.
"""

import jax, jax.numpy as jnp
import numpy as np

N = 10000   # nodes
E = 320000  # edges
D = 128     # dim_features
H = 64      # hidden_dim
T = 4       # num_trans
L = 3       # num_layers
G = 512     # number of graphs in the batch


def setup_inputs(seed: int = 0) -> dict:
    key = jax.random.key(seed)
    ks = jax.random.split(key, 12)
    x = jax.random.normal(ks[0], (N, D), dtype=jnp.float32)
    edge_index = jax.random.randint(ks[1], (2, E), 0, N, dtype=jnp.int32)
    batch = jnp.sort(jax.random.randint(ks[2], (N,), 0, G, dtype=jnp.int32))
    # GIN parameters for each of the T transformations (stacked on leading axis)
    W0 = jax.random.normal(ks[3], (T, D, H), dtype=jnp.float32) * 0.05
    b0 = jnp.zeros((T, H), dtype=jnp.float32)
    W1 = jax.random.normal(ks[4], (T, H, H), dtype=jnp.float32) * 0.05
    b1 = jnp.zeros((T, H), dtype=jnp.float32)
    W2 = jax.random.normal(ks[5], (T, H, H), dtype=jnp.float32) * 0.05
    b2 = jnp.zeros((T, H), dtype=jnp.float32)
    # learned bias of shape [1, 1, hidden_dim * num_layers]
    bias = jax.random.normal(ks[6], (1, 1, H * L), dtype=jnp.float32)
    return {"x": x, "edge_index": edge_index, "batch": batch,
            "W0": W0, "b0": b0, "W1": W1, "b1": b1, "W2": W2, "b2": b2,
            "bias": bias}


def _gin_forward(x, edge_index, batch, W0, b0, W1, b1, W2, b2):
    # GIN with sum aggregation, eps=0, per-layer global-add-pool readout,
    # concatenated across layers (standard GIN readout used in NeutraL-AD).
    src = edge_index[0]
    dst = edge_index[1]
    h = x
    readouts = []
    for (W, b) in ((W0, b0), (W1, b1), (W2, b2)):
        agg = jax.ops.segment_sum(h[src], dst, num_segments=N)
        h = jax.nn.relu((h + agg) @ W + b)  # (1+eps)*h + agg with eps=0, then MLP
        readouts.append(jax.ops.segment_sum(h, batch, num_segments=G))
    return jnp.concatenate(readouts, axis=1)  # [G, H*L]


def reference(x, edge_index, batch, W0, b0, W1, b1, W2, b2, bias):
    z_cat = []
    for t in range(T):
        z = _gin_forward(x, edge_index, batch,
                         W0[t], b0[t], W1[t], b1[t], W2[t], b2[t])
        if t == 0:
            z = z + bias[:, 0]
        z_cat.append(z[:, None, :])
    return jnp.concatenate(z_cat, axis=1)  # [G, T, H*L]

if __name__ == "__main__":
    import jax
    _d = setup_inputs()
    print(jax.jit(kernel)(*tuple(_d.values())))

</pallas_src>

<mosaic_0001>
#map = affine_map<(d0, d1) -> (0, 0)>
#map1 = affine_map<(d0, d1) -> (0, 0, 0)>
module attributes {stable_mosaic.version = 14 : i64} {
  func.func @body(%arg0: i32, %arg1: i32, %arg2: memref<10000x128xf32, #tpu.memory_space<hbm>>, %arg3: memref<2560x128xi32, #tpu.memory_space<hbm>>, %arg4: memref<2560x128xi32, #tpu.memory_space<hbm>>, %arg5: memref<640x128xf32, #tpu.memory_space<hbm>>, %arg6: memref<2x10240x128xf32, #tpu.memory_space<hbm>>, %arg7: memref<1x128xi32, #tpu.memory_space<vmem>>, %arg8: memref<1x128xi32, #tpu.memory_space<vmem>>, %arg9: memref<1x128xi32, #tpu.memory_space<vmem>>, %arg10: memref<1x128xi32, #tpu.memory_space<vmem>>, %arg11: memref<128x128xf32, #tpu.memory_space<vmem>>, %arg12: memref<128x128xf32, #tpu.memory_space<vmem>>, %arg13: memref<10240x128xf32, #tpu.memory_space<vmem_shared>>, %arg14: memref<!tpu.dma_semaphore, #tpu.memory_space<semaphore_mem>>, %arg15: memref<!tpu.dma_semaphore, #tpu.memory_space<semaphore_mem>>, %arg16: memref<!tpu.dma_semaphore, #tpu.memory_space<semaphore_mem>>, %arg17: memref<!tpu.dma_semaphore, #tpu.memory_space<semaphore_mem>>) attributes {dimension_semantics = [#tpu.dimension_semantics<core_parallel>, #tpu.dimension_semantics<subcore_parallel>], iteration_bounds = array<i64: 2, 16>, scalar_prefetch = 0 : i64, scratch_operands = 11 : i64, tpu.core_type = #tpu.core_type<sc_vector_subcore>, window_params = [{transform_indices = #map}, {transform_indices = #map}, {transform_indices = #map}, {transform_indices = #map}, {transform_indices = #map1}]} {
    %mul3A = arith.constant 16 : i32
    %mul3A_0 = arith.muli %arg0, %mul3A : i32
    %add3A = arith.addi %mul3A_0, %arg1 : i32
    %mul3A_1 = arith.constant 80 : i32
    %mul3A_2 = arith.muli %add3A, %mul3A_1 : i32
    %mul3A_3 = arith.constant 640 : i32
    %mul3A_4 = arith.muli %arg1, %mul3A_3 : i32
    "tpu.region"() ({
      %run_scoped3A = tpu.sem_alloc : memref<!tpu.dma_semaphore, #tpu.memory_space<semaphore_mem>>
      %dma_start3A_56 = arith.constant 0 : i32
      %dma_start3A_57 = tpu.memref_slice %arg13[%mul3A_4, %dma_start3A_56] : memref<10240x128xf32, #tpu.memory_space<vmem_shared>> -> memref<640x128xf32, #tpu.memory_space<vmem_shared>>
      tpu.enqueue_dma source(%arg5 : memref<640x128xf32, #tpu.memory_space<hbm>>) target(%dma_start3A_57 : memref<640x128xf32, #tpu.memory_space<vmem_shared>>) target_semaphore(%run_scoped3A : memref<!tpu.dma_semaphore, #tpu.memory_space<semaphore_mem>>)
      %dma_wait3A_58 = arith.constant 0 : i32
      %dma_wait3A_59 = tpu.memref_slice %arg13[%mul3A_4, %dma_wait3A_58] : memref<10240x128xf32, #tpu.memory_space<vmem_shared>> -> memref<640x128xf32, #tpu.memory_space<vmem_shared>>
      tpu.wait_dma2 semaphore(%run_scoped3A : memref<!tpu.dma_semaphore, #tpu.memory_space<semaphore_mem>>) src(%arg5 : memref<640x128xf32, #tpu.memory_space<hbm>>) dst(%dma_wait3A_59 : memref<640x128xf32, #tpu.memory_space<vmem_shared>>)
      tpu.yield
    }) : () -> ()
    %add3A_5 = arith.constant 0 : i32
    %add3A_6 = arith.addi %mul3A_2, %add3A_5 : i32
    %dma_start3A = arith.constant 0 : i32
    %dma_start3A_7 = tpu.memref_slice %arg3[%add3A_6, %dma_start3A] : memref<2560x128xi32, #tpu.memory_space<hbm>> -> memref<1x128xi32, #tpu.memory_space<hbm>>
    %dma_start3A_8 = arith.constant 0 : i32
    %dma_start3A_9 = tpu.memref_slice %arg3[%add3A_6, %dma_start3A_8] : memref<2560x128xi32, #tpu.memory_space<hbm>> -> memref<1x128xi32, #tpu.memory_space<hbm>>
    tpu.enqueue_dma source(%dma_start3A_9 : memref<1x128xi32, #tpu.memory_space<hbm>>) target(%arg7 : memref<1x128xi32, #tpu.memory_space<vmem>>) target_semaphore(%arg14 : memref<!tpu.dma_semaphore, #tpu.memory_space<semaphore_mem>>)
    %add3A_10 = arith.constant 0 : i32
    %add3A_11 = arith.addi %mul3A_2, %add3A_10 : i32
    %dma_start3A_12 = arith.constant 0 : i32
    %dma_start3A_13 = tpu.memref_slice %arg4[%add3A_11, %dma_start3A_12] : memref<2560x128xi32, #tpu.memory_space<hbm>> -> memref<1x128xi32, #tpu.memory_space<hbm>>
    %dma_start3A_14 = arith.constant 0 : i32
    %dma_start3A_15 = tpu.memref_slice %arg4[%add3A_11, %dma_start3A_14] : memref<2560x128xi32, #tpu.memory_space<hbm>> -> memref<1x128xi32, #tpu.memory_space<hbm>>
    tpu.enqueue_dma source(%dma_start3A_15 : memref<1x128xi32, #tpu.memory_space<hbm>>) target(%arg9 : memref<1x128xi32, #tpu.memory_space<vmem>>) target_semaphore(%arg14 : memref<!tpu.dma_semaphore, #tpu.memory_space<semaphore_mem>>)
    %add3A_16 = arith.constant 1 : i32
    %add3A_17 = arith.addi %mul3A_2, %add3A_16 : i32
    %dma_start3A_18 = arith.constant 0 : i32
    %dma_start3A_19 = tpu.memref_slice %arg3[%add3A_17, %dma_start3A_18] : memref<2560x128xi32, #tpu.memory_space<hbm>> -> memref<1x128xi32, #tpu.memory_space<hbm>>
    %dma_start3A_20 = arith.constant 0 : i32
    %dma_start3A_21 = tpu.memref_slice %arg3[%add3A_17, %dma_start3A_20] : memref<2560x128xi32, #tpu.memory_space<hbm>> -> memref<1x128xi32, #tpu.memory_space<hbm>>
    tpu.enqueue_dma source(%dma_start3A_21 : memref<1x128xi32, #tpu.memory_space<hbm>>) target(%arg8 : memref<1x128xi32, #tpu.memory_space<vmem>>) target_semaphore(%arg15 : memref<!tpu.dma_semaphore, #tpu.memory_space<semaphore_mem>>)
    %add3A_22 = arith.constant 1 : i32
    %add3A_23 = arith.addi %mul3A_2, %add3A_22 : i32
    %dma_start3A_24 = arith.constant 0 : i32
    %dma_start3A_25 = tpu.memref_slice %arg4[%add3A_23, %dma_start3A_24] : memref<2560x128xi32, #tpu.memory_space<hbm>> -> memref<1x128xi32, #tpu.memory_space<hbm>>
    %dma_start3A_26 = arith.constant 0 : i32
    %dma_start3A_27 = tpu.memref_slice %arg4[%add3A_23, %dma_start3A_26] : memref<2560x128xi32, #tpu.memory_space<hbm>> -> memref<1x128xi32, #tpu.memory_space<hbm>>
    tpu.enqueue_dma source(%dma_start3A_27 : memref<1x128xi32, #tpu.memory_space<hbm>>) target(%arg10 : memref<1x128xi32, #tpu.memory_space<vmem>>) target_semaphore(%arg15 : memref<!tpu.dma_semaphore, #tpu.memory_space<semaphore_mem>>)
    %dma_wait3A = arith.constant 0 : i32
    %dma_wait3A_28 = arith.constant 0 : i32
    %dma_wait3A_29 = tpu.memref_slice %arg3[%dma_wait3A, %dma_wait3A_28] : memref<2560x128xi32, #tpu.memory_space<hbm>> -> memref<1x128xi32, #tpu.memory_space<hbm>>
    %dma_wait3A_30 = arith.constant 0 : i32
    %dma_wait3A_31 = arith.constant 0 : i32
    %dma_wait3A_32 = tpu.memref_slice %arg3[%dma_wait3A_30, %dma_wait3A_31] : memref<2560x128xi32, #tpu.memory_space<hbm>> -> memref<1x128xi32, #tpu.memory_space<hbm>>
    tpu.wait_dma2 semaphore(%arg14 : memref<!tpu.dma_semaphore, #tpu.memory_space<semaphore_mem>>) src(%dma_wait3A_32 : memref<1x128xi32, #tpu.memory_space<hbm>>) dst(%arg7 : memref<1x128xi32, #tpu.memory_space<vmem>>)
    %dma_wait3A_33 = arith.constant 0 : i32
    %dma_wait3A_34 = arith.constant 0 : i32
    %dma_wait3A_35 = tpu.memref_slice %arg4[%dma_wait3A_33, %dma_wait3A_34] : memref<2560x128xi32, #tpu.memory_space<hbm>> -> memref<1x128xi32, #tpu.memory_space<hbm>>
    %dma_wait3A_36 = arith.constant 0 : i32
    %dma_wait3A_37 = arith.constant 0 : i32
    %dma_wait3A_38 = tpu.memref_slice %arg4[%dma_wait3A_36, %dma_wait3A_37] : memref<2560x128xi32, #tpu.memory_space<hbm>> -> memref<1x128xi32, #tpu.memory_space<hbm>>
    tpu.wait_dma2 semaphore(%arg14 : memref<!tpu.dma_semaphore, #tpu.memory_space<semaphore_mem>>) src(%dma_wait3A_38 : memref<1x128xi32, #tpu.memory_space<hbm>>) dst(%arg9 : memref<1x128xi32, #tpu.memory_space<vmem>>)
    %dma_start3A_39 = arith.constant 0 : i32
    %dma_start3A_40 = arith.constant 0 : i32
    %dma_start3A_41 = tpu.memref_slice %arg7[%dma_start3A_39, %dma_start3A_40] : memref<1x128xi32, #tpu.memory_space<vmem>> -> memref<1x128xi32, #tpu.memory_space<vmem>>
    %dma_start3A_42 = tpu.memref_squeeze %dma_start3A_41 : memref<1x128xi32, #tpu.memory_space<vmem>> -> memref<128xi32, #tpu.memory_space<vmem>>
    %dma_start3A_43 = arith.constant 0 : i32
    %dma_start3A_44 = arith.constant 0 : i32
    %dma_start3A_45 = tpu.memref_slice %arg2[%dma_start3A_43, %dma_start3A_44] : memref<10000x128xf32, #tpu.memory_space<hbm>> -> memref<10000x128xf32, #tpu.memory_space<hbm>>
    tpu.enqueue_indirect_dma source(%dma_start3A_45 : memref<10000x128xf32, #tpu.memory_space<hbm>>) target(%arg11 : memref<128x128xf32, #tpu.memory_space<vmem>>) offsets(%dma_start3A_42 : memref<128xi32, #tpu.memory_space<vmem>>) semaphore(%arg16 : memref<!tpu.dma_semaphore, #tpu.memory_space<semaphore_mem>>)
    %barrier3A = arith.constant 0 : index
    tpu.barrier barrier_id(%barrier3A)
    %scan3A = arith.constant 0 : i32
    %scan3A_46 = arith.constant 0 : i32
    %scan3A_47 = arith.constant 40 : i32
    %scan3A_48 = arith.addi %scan3A_46, %scan3A_47 : i32
    %scan3A_49 = arith.constant 1 : i32
    scf.for %scan3A_56 = %scan3A_46 to %scan3A_48 step %scan3A_49  : i32 {
      %mul3A_57 = arith.constant 2 : i32
      %mul3A_58 = arith.muli %scan3A_56, %mul3A_57 : i32
      %add3A_59 = arith.constant 1 : i32
      %add3A_60 = arith.addi %mul3A_58, %add3A_59 : i32
      %lt3A = arith.constant 80 : i32
      %lt3A_61 = arith.cmpi slt, %add3A_60, %lt3A : i32
      %convert_element_type3A = arith.extui %lt3A_61 : i1 to i32
      %cond3A = arith.constant 0 : i32
      %cond3A_62 = arith.cmpi ne, %convert_element_type3A, %cond3A : i32
      scf.if %cond3A_62 {
        %dma_wait3A_103 = arith.constant 0 : i32
        %dma_wait3A_104 = arith.constant 0 : i32
        %dma_wait3A_105 = tpu.memref_slice %arg3[%dma_wait3A_103, %dma_wait3A_104] : memref<2560x128xi32, #tpu.memory_space<hbm>> -> memref<1x128xi32, #tpu.memory_space<hbm>>
        %dma_wait3A_106 = arith.constant 0 : i32
        %dma_wait3A_107 = arith.constant 0 : i32
        %dma_wait3A_108 = tpu.memref_slice %arg3[%dma_wait3A_106, %dma_wait3A_107] : memref<2560x128xi32, #tpu.memory_space<hbm>> -> memref<1x128xi32, #tpu.memory_space<hbm>>
        tpu.wait_dma2 semaphore(%arg15 : memref<!tpu.dma_semaphore, #tpu.memory_space<semaphore_mem>>) src(%dma_wait3A_108 : memref<1x128xi32, #tpu.memory_space<hbm>>) dst(%arg8 : memref<1x128xi32, #tpu.memory_space<vmem>>)
        %dma_wait3A_109 = arith.constant 0 : i32
        %dma_wait3A_110 = arith.constant 0 : i32
        %dma_wait3A_111 = tpu.memref_slice %arg4[%dma_wait3A_109, %dma_wait3A_110] : memref<2560x128xi32, #tpu.memory_space<hbm>> -> memref<1x128xi32, #tpu.memory_space<hbm>>
        %dma_wait3A_112 = arith.constant 0 : i32
        %dma_wait3A_113 = arith.constant 0 : i32
        %dma_wait3A_114 = tpu.memref_slice %arg4[%dma_wait3A_112, %dma_wait3A_113] : memref<2560x128xi32, #tpu.memory_space<hbm>> -> memref<1x128xi32, #tpu.memory_space<hbm>>
        tpu.wait_dma2 semaphore(%arg15 : memref<!tpu.dma_semaphore, #tpu.memory_space<semaphore_mem>>) src(%dma_wait3A_114 : memref<1x128xi32, #tpu.memory_space<hbm>>) dst(%arg10 : memref<1x128xi32, #tpu.memory_space<vmem>>)
        %dma_start3A_115 = arith.constant 0 : i32
        %dma_start3A_116 = arith.constant 0 : i32
        %dma_start3A_117 = tpu.memref_slice %arg8[%dma_start3A_115, %dma_start3A_116] : memref<1x128xi32, #tpu.memory_space<vmem>> -> memref<1x128xi32, #tpu.memory_space<vmem>>
        %dma_start3A_118 = tpu.memref_squeeze %dma_start3A_117 : memref<1x128xi32, #tpu.memory_space<vmem>> -> memref<128xi32, #tpu.memory_space<vmem>>
        %dma_start3A_119 = arith.constant 0 : i32
        %dma_start3A_120 = arith.constant 0 : i32
        %dma_start3A_121 = tpu.memref_slice %arg2[%dma_start3A_119, %dma_start3A_120] : memref<10000x128xf32, #tpu.memory_space<hbm>> -> memref<10000x128xf32, #tpu.memory_space<hbm>>
        tpu.enqueue_indirect_dma source(%dma_start3A_121 : memref<10000x128xf32, #tpu.memory_space<hbm>>) target(%arg12 : memref<128x128xf32, #tpu.memory_space<vmem>>) offsets(%dma_start3A_118 : memref<128xi32, #tpu.memory_space<vmem>>) semaphore(%arg17 : memref<!tpu.dma_semaphore, #tpu.memory_space<semaphore_mem>>)
      } else {
      }
      %dma_wait3A_63 = arith.constant 0 : i32
      %dma_wait3A_64 = arith.constant 0 : i32
      %dma_wait3A_65 = tpu.memref_slice %arg7[%dma_wait3A_63, %dma_wait3A_64] : memref<1x128xi32, #tpu.memory_space<vmem>> -> memref<1x128xi32, #tpu.memory_space<vmem>>
      %dma_wait3A_66 = tpu.memref_squeeze %dma_wait3A_65 : memref<1x128xi32, #tpu.memory_space<vmem>> -> memref<128xi32, #tpu.memory_space<vmem>>
      %dma_wait3A_67 = arith.constant 0 : i32
      %dma_wait3A_68 = arith.constant 0 : i32
      %dma_wait3A_69 = tpu.memref_slice %arg2[%dma_wait3A_67, %dma_wait3A_68] : memref<10000x128xf32, #tpu.memory_space<hbm>> -> memref<10000x128xf32, #tpu.memory_space<hbm>>
      tpu.wait_indirect_dma semaphore(%arg16 : memref<!tpu.dma_semaphore, #tpu.memory_space<semaphore_mem>>) src(%dma_wait3A_69 : memref<10000x128xf32, #tpu.memory_space<hbm>>) dst(%arg11 : memref<128x128xf32, #tpu.memory_space<vmem>>)
      %run_scoped3A = arith.constant 0 : i32
      "tpu.region"() ({
        %run_scoped3A_103 = tpu.sem_alloc : memref<!tpu.dma_semaphore, #tpu.memory_space<semaphore_mem>>
        %dma_start3A_104 = arith.constant 0 : i32
        %dma_start3A_105 = tpu.memref_slice %arg9[%run_scoped3A, %dma_start3A_104] : memref<1x128xi32, #tpu.memory_space<vmem>> -> memref<1x128xi32, #tpu.memory_space<vmem>>
        %dma_start3A_106 = tpu.memref_squeeze %dma_start3A_105 : memref<1x128xi32, #tpu.memory_space<vmem>> -> memref<128xi32, #tpu.memory_space<vmem>>
        %dma_start3A_107 = arith.constant 0 : i32
        %dma_start3A_108 = arith.constant 0 : i32
        %dma_start3A_109 = tpu.memref_slice %arg13[%dma_start3A_107, %dma_start3A_108] : memref<10240x128xf32, #tpu.memory_space<vmem_shared>> -> memref<10240x128xf32, #tpu.memory_space<vmem_shared>>
        tpu.enqueue_indirect_dma source(%arg11 : memref<128x128xf32, #tpu.memory_space<vmem>>) target(%dma_start3A_109 : memref<10240x128xf32, #tpu.memory_space<vmem_shared>>) offsets(%dma_start3A_106 : memref<128xi32, #tpu.memory_space<vmem>>) semaphore(%run_scoped3A_103 : memref<!tpu.dma_semaphore, #tpu.memory_space<semaphore_mem>>) {add = true}
        %dma_wait3A_110 = arith.constant 0 : i32
        %dma_wait3A_111 = tpu.memref_slice %arg9[%run_scoped3A, %dma_wait3A_110] : memref<1x128xi32, #tpu.memory_space<vmem>> -> memref<1x128xi32, #tpu.memory_space<vmem>>
        %dma_wait3A_112 = tpu.memref_squeeze %dma_wait3A_111 : memref<1x128xi32, #tpu.memory_space<vmem>> -> memref<128xi32, #tpu.memory_space<vmem>>
        %dma_wait3A_113 = arith.constant 0 : i32
        %dma_wait3A_114 = arith.constant 0 : i32
        %dma_wait3A_115 = tpu.memref_slice %arg13[%dma_wait3A_113, %dma_wait3A_114] : memref<10240x128xf32, #tpu.memory_space<vmem_shared>> -> memref<10240x128xf32, #tpu.memory_space<vmem_shared>>
        tpu.wait_indirect_dma semaphore(%run_scoped3A_103 : memref<!tpu.dma_semaphore, #tpu.memory_space<semaphore_mem>>) src(%arg11 : memref<128x128xf32, #tpu.memory_space<vmem>>) dst(%dma_wait3A_115 : memref<10240x128xf32, #tpu.memory_space<vmem_shared>>)
        tpu.yield
      }) : () -> ()
      %add3A_70 = arith.constant 2 : i32
      %add3A_71 = arith.addi %mul3A_58, %add3A_70 : i32
      %lt3A_72 = arith.constant 80 : i32
      %lt3A_73 = arith.cmpi slt, %add3A_71, %lt3A_72 : i32
      %convert_element_type3A_74 = arith.extui %lt3A_73 : i1 to i32
      %cond3A_75 = arith.constant 0 : i32
      %cond3A_76 = arith.cmpi ne, %convert_element_type3A_74, %cond3A_75 : i32
      scf.if %cond3A_76 {
        %add3A_103 = arith.constant 2 : i32
        %add3A_104 = arith.addi %mul3A_58, %add3A_103 : i32
        %add3A_105 = arith.addi %mul3A_2, %add3A_104 : i32
        %dma_start3A_106 = arith.constant 0 : i32
        %dma_start3A_107 = tpu.memref_slice %arg3[%add3A_105, %dma_start3A_106] : memref<2560x128xi32, #tpu.memory_space<hbm>> -> memref<1x128xi32, #tpu.memory_space<hbm>>
        %dma_start3A_108 = arith.constant 0 : i32
        %dma_start3A_109 = tpu.memref_slice %arg3[%add3A_105, %dma_start3A_108] : memref<2560x128xi32, #tpu.memory_space<hbm>> -> memref<1x128xi32, #tpu.memory_space<hbm>>
        tpu.enqueue_dma source(%dma_start3A_109 : memref<1x128xi32, #tpu.memory_space<hbm>>) target(%arg7 : memref<1x128xi32, #tpu.memory_space<vmem>>) target_semaphore(%arg14 : memref<!tpu.dma_semaphore, #tpu.memory_space<semaphore_mem>>)
        %add3A_110 = arith.addi %mul3A_2, %add3A_104 : i32
        %dma_start3A_111 = arith.constant 0 : i32
        %dma_start3A_112 = tpu.memref_slice %arg4[%add3A_110, %dma_start3A_111] : memref<2560x128xi32, #tpu.memory_space<hbm>> -> memref<1x128xi32, #tpu.memory_space<hbm>>
        %dma_start3A_113 = arith.constant 0 : i32
        %dma_start3A_114 = tpu.memref_slice %arg4[%add3A_110, %dma_start3A_113] : memref<2560x128xi32, #tpu.memory_space<hbm>> -> memref<1x128xi32, #tpu.memory_space<hbm>>
        tpu.enqueue_dma source(%dma_start3A_114 : memref<1x128xi32, #tpu.memory_space<hbm>>) target(%arg9 : memref<1x128xi32, #tpu.memory_space<vmem>>) target_semaphore(%arg14 : memref<!tpu.dma_semaphore, #tpu.memory_space<semaphore_mem>>)
      } else {
      }
      %mul3A_77 = arith.constant 2 : i32
      %mul3A_78 = arith.muli %scan3A_56, %mul3A_77 : i32
      %add3A_79 = arith.constant 1 : i32
      %add3A_80 = arith.addi %mul3A_78, %add3A_79 : i32
      %add3A_81 = arith.constant 1 : i32
      %add3A_82 = arith.addi %add3A_80, %add3A_81 : i32
      %lt3A_83 = arith.constant 80 : i32
      %lt3A_84 = arith.cmpi slt, %add3A_82, %lt3A_83 : i32
      %convert_element_type3A_85 = arith.extui %lt3A_84 : i1 to i32
      %cond3A_86 = arith.constant 0 : i32
      %cond3A_87 = arith.cmpi ne, %convert_element_type3A_85, %cond3A_86 : i32
      scf.if %cond3A_87 {
        %dma_wait3A_103 = arith.constant 0 : i32
        %dma_wait3A_104 = arith.constant 0 : i32
        %dma_wait3A_105 = tpu.memref_slice %arg3[%dma_wait3A_103, %dma_wait3A_104] : memref<2560x128xi32, #tpu.memory_space<hbm>> -> memref<1x128xi32, #tpu.memory_space<hbm>>
        %dma_wait3A_106 = arith.constant 0 : i32
        %dma_wait3A_107 = arith.constant 0 : i32
        %dma_wait3A_108 = tpu.memref_slice %arg3[%dma_wait3A_106, %dma_wait3A_107] : memref<2560x128xi32, #tpu.memory_space<hbm>> -> memref<1x128xi32, #tpu.memory_space<hbm>>
        tpu.wait_dma2 semaphore(%arg14 : memref<!tpu.dma_semaphore, #tpu.memory_space<semaphore_mem>>) src(%dma_wait3A_108 : memref<1x128xi32, #tpu.memory_space<hbm>>) dst(%arg7 : memref<1x128xi32, #tpu.memory_space<vmem>>)
        %dma_wait3A_109 = arith.constant 0 : i32
        %dma_wait3A_110 = arith.constant 0 : i32
        %dma_wait3A_111 = tpu.memref_slice %arg4[%dma_wait3A_109, %dma_wait3A_110] : memref<2560x128xi32, #tpu.memory_space<hbm>> -> memref<1x128xi32, #tpu.memory_space<hbm>>
        %dma_wait3A_112 = arith.constant 0 : i32
        %dma_wait3A_113 = arith.constant 0 : i32
        %dma_wait3A_114 = tpu.memref_slice %arg4[%dma_wait3A_112, %dma_wait3A_113] : memref<2560x128xi32, #tpu.memory_space<hbm>> -> memref<1x128xi32, #tpu.memory_space<hbm>>
        tpu.wait_dma2 semaphore(%arg14 : memref<!tpu.dma_semaphore, #tpu.memory_space<semaphore_mem>>) src(%dma_wait3A_114 : memref<1x128xi32, #tpu.memory_space<hbm>>) dst(%arg9 : memref<1x128xi32, #tpu.memory_space<vmem>>)
        %dma_start3A_115 = arith.constant 0 : i32
        %dma_start3A_116 = arith.constant 0 : i32
        %dma_start3A_117 = tpu.memref_slice %arg7[%dma_start3A_115, %dma_start3A_116] : memref<1x128xi32, #tpu.memory_space<vmem>> -> memref<1x128xi32, #tpu.memory_space<vmem>>
        %dma_start3A_118 = tpu.memref_squeeze %dma_start3A_117 : memref<1x128xi32, #tpu.memory_space<vmem>> -> memref<128xi32, #tpu.memory_space<vmem>>
        %dma_start3A_119 = arith.constant 0 : i32
        %dma_start3A_120 = arith.constant 0 : i32
        %dma_start3A_121 = tpu.memref_slice %arg2[%dma_start3A_119, %dma_start3A_120] : memref<10000x128xf32, #tpu.memory_space<hbm>> -> memref<10000x128xf32, #tpu.memory_space<hbm>>
        tpu.enqueue_indirect_dma source(%dma_start3A_121 : memref<10000x128xf32, #tpu.memory_space<hbm>>) target(%arg11 : memref<128x128xf32, #tpu.memory_space<vmem>>) offsets(%dma_start3A_118 : memref<128xi32, #tpu.memory_space<vmem>>) semaphore(%arg16 : memref<!tpu.dma_semaphore, #tpu.memory_space<semaphore_mem>>)
      } else {
      }
      %dma_wait3A_88 = arith.constant 0 : i32
      %dma_wait3A_89 = arith.constant 0 : i32
      %dma_wait3A_90 = tpu.memref_slice %arg8[%dma_wait3A_88, %dma_wait3A_89] : memref<1x128xi32, #tpu.memory_space<vmem>> -> memref<1x128xi32, #tpu.memory_space<vmem>>
      %dma_wait3A_91 = tpu.memref_squeeze %dma_wait3A_90 : memref<1x128xi32, #tpu.memory_space<vmem>> -> memref<128xi32, #tpu.memory_space<vmem>>
      %dma_wait3A_92 = arith.constant 0 : i32
      %dma_wait3A_93 = arith.constant 0 : i32
      %dma_wait3A_94 = tpu.memref_slice %arg2[%dma_wait3A_92, %dma_wait3A_93] : memref<10000x128xf32, #tpu.memory_space<hbm>> -> memref<10000x128xf32, #tpu.memory_space<hbm>>
      tpu.wait_indirect_dma semaphore(%arg17 : memref<!tpu.dma_semaphore, #tpu.memory_space<semaphore_mem>>) src(%dma_wait3A_94 : memref<10000x128xf32, #tpu.memory_space<hbm>>) dst(%arg12 : memref<128x128xf32, #tpu.memory_space<vmem>>)
      %run_scoped3A_95 = arith.constant 0 : i32
      "tpu.region"() ({
        %run_scoped3A_103 = tpu.sem_alloc : memref<!tpu.dma_semaphore, #tpu.memory_space<semaphore_mem>>
        %dma_start3A_104 = arith.constant 0 : i32
        %dma_start3A_105 = tpu.memref_slice %arg10[%run_scoped3A_95, %dma_start3A_104] : memref<1x128xi32, #tpu.memory_space<vmem>> -> memref<1x128xi32, #tpu.memory_space<vmem>>
        %dma_start3A_106 = tpu.memref_squeeze %dma_start3A_105 : memref<1x128xi32, #tpu.memory_space<vmem>> -> memref<128xi32, #tpu.memory_space<vmem>>
        %dma_start3A_107 = arith.constant 0 : i32
        %dma_start3A_108 = arith.constant 0 : i32
        %dma_start3A_109 = tpu.memref_slice %arg13[%dma_start3A_107, %dma_start3A_108] : memref<10240x128xf32, #tpu.memory_space<vmem_shared>> -> memref<10240x128xf32, #tpu.memory_space<vmem_shared>>
        tpu.enqueue_indirect_dma source(%arg12 : memref<128x128xf32, #tpu.memory_space<vmem>>) target(%dma_start3A_109 : memref<10240x128xf32, #tpu.memory_space<vmem_shared>>) offsets(%dma_start3A_106 : memref<128xi32, #tpu.memory_space<vmem>>) semaphore(%run_scoped3A_103 : memref<!tpu.dma_semaphore, #tpu.memory_space<semaphore_mem>>) {add = true}
        %dma_wait3A_110 = arith.constant 0 : i32
        %dma_wait3A_111 = tpu.memref_slice %arg10[%run_scoped3A_95, %dma_wait3A_110] : memref<1x128xi32, #tpu.memory_space<vmem>> -> memref<1x128xi32, #tpu.memory_space<vmem>>
        %dma_wait3A_112 = tpu.memref_squeeze %dma_wait3A_111 : memref<1x128xi32, #tpu.memory_space<vmem>> -> memref<128xi32, #tpu.memory_space<vmem>>
        %dma_wait3A_113 = arith.constant 0 : i32
        %dma_wait3A_114 = arith.constant 0 : i32
        %dma_wait3A_115 = tpu.memref_slice %arg13[%dma_wait3A_113, %dma_wait3A_114] : memref<10240x128xf32, #tpu.memory_space<vmem_shared>> -> memref<10240x128xf32, #tpu.memory_space<vmem_shared>>
        tpu.wait_indirect_dma semaphore(%run_scoped3A_103 : memref<!tpu.dma_semaphore, #tpu.memory_space<semaphore_mem>>) src(%arg12 : memref<128x128xf32, #tpu.memory_space<vmem>>) dst(%dma_wait3A_115 : memref<10240x128xf32, #tpu.memory_space<vmem_shared>>)
        tpu.yield
      }) : () -> ()
      %add3A_96 = arith.constant 2 : i32
      %add3A_97 = arith.addi %add3A_80, %add3A_96 : i32
      %lt3A_98 = arith.constant 80 : i32
      %lt3A_99 = arith.cmpi slt, %add3A_97, %lt3A_98 : i32
      %convert_element_type3A_100 = arith.extui %lt3A_99 : i1 to i32
      %cond3A_101 = arith.constant 0 : i32
      %cond3A_102 = arith.cmpi ne, %convert_element_type3A_100, %cond3A_101 : i32
      scf.if %cond3A_102 {
        %add3A_103 = arith.constant 2 : i32
        %add3A_104 = arith.addi %add3A_80, %add3A_103 : i32
        %add3A_105 = arith.addi %mul3A_2, %add3A_104 : i32
        %dma_start3A_106 = arith.constant 0 : i32
        %dma_start3A_107 = tpu.memref_slice %arg3[%add3A_105, %dma_start3A_106] : memref<2560x128xi32, #tpu.memory_space<hbm>> -> memref<1x128xi32, #tpu.memory_space<hbm>>
        %dma_start3A_108 = arith.constant 0 : i32
        %dma_start3A_109 = tpu.memref_slice %arg3[%add3A_105, %dma_start3A_108] : memref<2560x128xi32, #tpu.memory_space<hbm>> -> memref<1x128xi32, #tpu.memory_space<hbm>>
        tpu.enqueue_dma source(%dma_start3A_109 : memref<1x128xi32, #tpu.memory_space<hbm>>) target(%arg8 : memref<1x128xi32, #tpu.memory_space<vmem>>) target_semaphore(%arg15 : memref<!tpu.dma_semaphore, #tpu.memory_space<semaphore_mem>>)
        %add3A_110 = arith.addi %mul3A_2, %add3A_104 : i32
        %dma_start3A_111 = arith.constant 0 : i32
        %dma_start3A_112 = tpu.memref_slice %arg4[%add3A_110, %dma_start3A_111] : memref<2560x128xi32, #tpu.memory_space<hbm>> -> memref<1x128xi32, #tpu.memory_space<hbm>>
        %dma_start3A_113 = arith.constant 0 : i32
        %dma_start3A_114 = tpu.memref_slice %arg4[%add3A_110, %dma_start3A_113] : memref<2560x128xi32, #tpu.memory_space<hbm>> -> memref<1x128xi32, #tpu.memory_space<hbm>>
        tpu.enqueue_dma source(%dma_start3A_114 : memref<1x128xi32, #tpu.memory_space<hbm>>) target(%arg10 : memref<1x128xi32, #tpu.memory_space<vmem>>) target_semaphore(%arg15 : memref<!tpu.dma_semaphore, #tpu.memory_space<semaphore_mem>>)
      } else {
      }
    }
    %scan3A_50 = arith.constant 40 : i32
    %barrier3A_51 = arith.constant 0 : index
    tpu.barrier barrier_id(%barrier3A_51)
    %mul3A_52 = arith.constant 640 : i32
    %mul3A_53 = arith.muli %arg1, %mul3A_52 : i32
    %mul3A_54 = arith.constant 640 : i32
    %mul3A_55 = arith.muli %arg1, %mul3A_54 : i32
    "tpu.region"() ({
      %run_scoped3A = tpu.sem_alloc : memref<!tpu.dma_semaphore, #tpu.memory_space<semaphore_mem>>
      %dma_start3A_56 = arith.constant 0 : i32
      %dma_start3A_57 = tpu.memref_slice %arg6[%arg0, %mul3A_55, %dma_start3A_56] : memref<2x10240x128xf32, #tpu.memory_space<hbm>> -> memref<1x640x128xf32, #tpu.memory_space<hbm>>
      %dma_start3A_58 = tpu.memref_squeeze %dma_start3A_57 : memref<1x640x128xf32, #tpu.memory_space<hbm>> -> memref<640x128xf32, #tpu.memory_space<hbm>>
      %dma_start3A_59 = arith.constant 0 : i32
      %dma_start3A_60 = tpu.memref_slice %arg13[%mul3A_53, %dma_start3A_59] : memref<10240x128xf32, #tpu.memory_space<vmem_shared>> -> memref<640x128xf32, #tpu.memory_space<vmem_shared>>
      tpu.enqueue_dma source(%dma_start3A_60 : memref<640x128xf32, #tpu.memory_space<vmem_shared>>) target(%dma_start3A_58 : memref<640x128xf32, #tpu.memory_space<hbm>>) target_semaphore(%run_scoped3A : memref<!tpu.dma_semaphore, #tpu.memory_space<semaphore_mem>>)
      %dma_wait3A_61 = arith.constant 0 : i32
      %dma_wait3A_62 = tpu.memref_slice %arg6[%arg0, %mul3A_55, %dma_wait3A_61] : memref<2x10240x128xf32, #tpu.memory_space<hbm>> -> memref<1x640x128xf32, #tpu.memory_space<hbm>>
      %dma_wait3A_63 = tpu.memref_squeeze %dma_wait3A_62 : memref<1x640x128xf32, #tpu.memory_space<hbm>> -> memref<640x128xf32, #tpu.memory_space<hbm>>
      %dma_wait3A_64 = arith.constant 0 : i32
      %dma_wait3A_65 = tpu.memref_slice %arg13[%mul3A_53, %dma_wait3A_64] : memref<10240x128xf32, #tpu.memory_space<vmem_shared>> -> memref<640x128xf32, #tpu.memory_space<vmem_shared>>
      tpu.wait_dma2 semaphore(%run_scoped3A : memref<!tpu.dma_semaphore, #tpu.memory_space<semaphore_mem>>) src(%dma_wait3A_65 : memref<640x128xf32, #tpu.memory_space<vmem_shared>>) dst(%dma_wait3A_63 : memref<640x128xf32, #tpu.memory_space<hbm>>)
      tpu.yield
    }) : () -> ()
    return
  }
}

#map = affine_map<(d0, d1) -> (0, 0)>
#map1 = affine_map<(d0, d1) -> (0, 0, 0)>
module attributes {stable_mosaic.version = 14 : i64} {
  func.func @body(%arg0: i32, %arg1: i32, %arg2: memref<20000x128xf32, #tpu.memory_space<hbm>>, %arg3: memref<5120x128xi32, #tpu.memory_space<hbm>>, %arg4: memref<2560x128xi32, #tpu.memory_space<hbm>>, %arg5: memref<640x128xf32, #tpu.memory_space<hbm>>, %arg6: memref<2x10240x128xf32, #tpu.memory_space<hbm>>, %arg7: memref<1x128xi32, #tpu.memory_space<vmem>>, %arg8: memref<1x128xi32, #tpu.memory_space<vmem>>, %arg9: memref<1x128xi32, #tpu.memory_space<vmem>>, %arg10: memref<1x128xi32, #tpu.memory_space<vmem>>, %arg11: memref<128x128xf32, #tpu.memory_space<vmem>>, %arg12: memref<128x128xf32, #tpu.memory_space<vmem>>, %arg13: memref<10240x128xf32, #tpu.memory_space<vmem_shared>>, %arg14: memref<!tpu.dma_semaphore, #tpu.memory_space<semaphore_mem>>, %arg15: memref<!tpu.dma_semaphore, #tpu.memory_space<semaphore_mem>>, %arg16: memref<!tpu.dma_semaphore, #tpu.memory_space<semaphore_mem>>, %arg17: memref<!tpu.dma_semaphore, #tpu.memory_space<semaphore_mem>>) attributes {dimension_semantics = [#tpu.dimension_semantics<core_parallel>, #tpu.dimension_semantics<subcore_parallel>], iteration_bounds = array<i64: 2, 16>, scalar_prefetch = 0 : i64, scratch_operands = 11 : i64, tpu.core_type = #tpu.core_type<sc_vector_subcore>, window_params = [{transform_indices = #map}, {transform_indices = #map}, {transform_indices = #map}, {transform_indices = #map}, {transform_indices = #map1}]} {
    %mul3A = arith.constant 2560 : i32
    %mul3A_0 = arith.muli %arg0, %mul3A : i32
    %mul3A_1 = arith.constant 160 : i32
    %mul3A_2 = arith.muli %arg1, %mul3A_1 : i32
    %add3A = arith.addi %mul3A_0, %mul3A_2 : i32
    %mul3A_3 = arith.constant 160 : i32
    %mul3A_4 = arith.muli %arg1, %mul3A_3 : i32
    %mul3A_5 = arith.constant 640 : i32
    %mul3A_6 = arith.muli %arg1, %mul3A_5 : i32
    "tpu.region"() ({
      %run_scoped3A = tpu.sem_alloc : memref<!tpu.dma_semaphore, #tpu.memory_space<semaphore_mem>>
      %dma_start3A_58 = arith.constant 0 : i32
      %dma_start3A_59 = tpu.memref_slice %arg13[%mul3A_6, %dma_start3A_58] : memref<10240x128xf32, #tpu.memory_space<vmem_shared>> -> memref<640x128xf32, #tpu.memory_space<vmem_shared>>
      tpu.enqueue_dma source(%arg5 : memref<640x128xf32, #tpu.memory_space<hbm>>) target(%dma_start3A_59 : memref<640x128xf32, #tpu.memory_space<vmem_shared>>) target_semaphore(%run_scoped3A : memref<!tpu.dma_semaphore, #tpu.memory_space<semaphore_mem>>)
      %dma_wait3A_60 = arith.constant 0 : i32
      %dma_wait3A_61 = tpu.memref_slice %arg13[%mul3A_6, %dma_wait3A_60] : memref<10240x128xf32, #tpu.memory_space<vmem_shared>> -> memref<640x128xf32, #tpu.memory_space<vmem_shared>>
      tpu.wait_dma2 semaphore(%run_scoped3A : memref<!tpu.dma_semaphore, #tpu.memory_space<semaphore_mem>>) src(%arg5 : memref<640x128xf32, #tpu.memory_space<hbm>>) dst(%dma_wait3A_61 : memref<640x128xf32, #tpu.memory_space<vmem_shared>>)
      tpu.yield
    }) : () -> ()
    %add3A_7 = arith.constant 0 : i32
    %add3A_8 = arith.addi %add3A, %add3A_7 : i32
    %dma_start3A = arith.constant 0 : i32
    %dma_start3A_9 = tpu.memref_slice %arg3[%add3A_8, %dma_start3A] : memref<5120x128xi32, #tpu.memory_space<hbm>> -> memref<1x128xi32, #tpu.memory_space<hbm>>
    %dma_start3A_10 = arith.constant 0 : i32
    %dma_start3A_11 = tpu.memref_slice %arg3[%add3A_8, %dma_start3A_10] : memref<5120x128xi32, #tpu.memory_space<hbm>> -> memref<1x128xi32, #tpu.memory_space<hbm>>
    tpu.enqueue_dma source(%dma_start3A_11 : memref<1x128xi32, #tpu.memory_space<hbm>>) target(%arg7 : memref<1x128xi32, #tpu.memory_space<vmem>>) target_semaphore(%arg14 : memref<!tpu.dma_semaphore, #tpu.memory_space<semaphore_mem>>)
    %add3A_12 = arith.constant 0 : i32
    %add3A_13 = arith.addi %mul3A_4, %add3A_12 : i32
    %dma_start3A_14 = arith.constant 0 : i32
    %dma_start3A_15 = tpu.memref_slice %arg4[%add3A_13, %dma_start3A_14] : memref<2560x128xi32, #tpu.memory_space<hbm>> -> memref<1x128xi32, #tpu.memory_space<hbm>>
    %dma_start3A_16 = arith.constant 0 : i32
    %dma_start3A_17 = tpu.memref_slice %arg4[%add3A_13, %dma_start3A_16] : memref<2560x128xi32, #tpu.memory_space<hbm>> -> memref<1x128xi32, #tpu.memory_space<hbm>>
    tpu.enqueue_dma source(%dma_start3A_17 : memref<1x128xi32, #tpu.memory_space<hbm>>) target(%arg9 : memref<1x128xi32, #tpu.memory_space<vmem>>) target_semaphore(%arg14 : memref<!tpu.dma_semaphore, #tpu.memory_space<semaphore_mem>>)
    %add3A_18 = arith.constant 1 : i32
    %add3A_19 = arith.addi %add3A, %add3A_18 : i32
    %dma_start3A_20 = arith.constant 0 : i32
    %dma_start3A_21 = tpu.memref_slice %arg3[%add3A_19, %dma_start3A_20] : memref<5120x128xi32, #tpu.memory_space<hbm>> -> memref<1x128xi32, #tpu.memory_space<hbm>>
    %dma_start3A_22 = arith.constant 0 : i32
    %dma_start3A_23 = tpu.memref_slice %arg3[%add3A_19, %dma_start3A_22] : memref<5120x128xi32, #tpu.memory_space<hbm>> -> memref<1x128xi32, #tpu.memory_space<hbm>>
    tpu.enqueue_dma source(%dma_start3A_23 : memref<1x128xi32, #tpu.memory_space<hbm>>) target(%arg8 : memref<1x128xi32, #tpu.memory_space<vmem>>) target_semaphore(%arg15 : memref<!tpu.dma_semaphore, #tpu.memory_space<semaphore_mem>>)
    %add3A_24 = arith.constant 1 : i32
    %add3A_25 = arith.addi %mul3A_4, %add3A_24 : i32
    %dma_start3A_26 = arith.constant 0 : i32
    %dma_start3A_27 = tpu.memref_slice %arg4[%add3A_25, %dma_start3A_26] : memref<2560x128xi32, #tpu.memory_space<hbm>> -> memref<1x128xi32, #tpu.memory_space<hbm>>
    %dma_start3A_28 = arith.constant 0 : i32
    %dma_start3A_29 = tpu.memref_slice %arg4[%add3A_25, %dma_start3A_28] : memref<2560x128xi32, #tpu.memory_space<hbm>> -> memref<1x128xi32, #tpu.memory_space<hbm>>
    tpu.enqueue_dma source(%dma_start3A_29 : memref<1x128xi32, #tpu.memory_space<hbm>>) target(%arg10 : memref<1x128xi32, #tpu.memory_space<vmem>>) target_semaphore(%arg15 : memref<!tpu.dma_semaphore, #tpu.memory_space<semaphore_mem>>)
    %dma_wait3A = arith.constant 0 : i32
    %dma_wait3A_30 = arith.constant 0 : i32
    %dma_wait3A_31 = tpu.memref_slice %arg3[%dma_wait3A, %dma_wait3A_30] : memref<5120x128xi32, #tpu.memory_space<hbm>> -> memref<1x128xi32, #tpu.memory_space<hbm>>
    %dma_wait3A_32 = arith.constant 0 : i32
    %dma_wait3A_33 = arith.constant 0 : i32
    %dma_wait3A_34 = tpu.memref_slice %arg3[%dma_wait3A_32, %dma_wait3A_33] : memref<5120x128xi32, #tpu.memory_space<hbm>> -> memref<1x128xi32, #tpu.memory_space<hbm>>
    tpu.wait_dma2 semaphore(%arg14 : memref<!tpu.dma_semaphore, #tpu.memory_space<semaphore_mem>>) src(%dma_wait3A_34 : memref<1x128xi32, #tpu.memory_space<hbm>>) dst(%arg7 : memref<1x128xi32, #tpu.memory_space<vmem>>)
    %dma_wait3A_35 = arith.constant 0 : i32
    %dma_wait3A_36 = arith.constant 0 : i32
    %dma_wait3A_37 = tpu.memref_slice %arg4[%dma_wait3A_35, %dma_wait3A_36] : memref<2560x128xi32, #tpu.memory_space<hbm>> -> memref<1x128xi32, #tpu.memory_space<hbm>>
    %dma_wait3A_38 = arith.constant 0 : i32
    %dma_wait3A_39 = arith.constant 0 : i32
    %dma_wait3A_40 = tpu.memref_slice %arg4[%dma_wait3A_38, %dma_wait3A_39] : memref<2560x128xi32, #tpu.memory_space<hbm>> -> memref<1x128xi32, #tpu.memory_space<hbm>>
    tpu.wait_dma2 semaphore(%arg14 : memref<!tpu.dma_semaphore, #tpu.memory_space<semaphore_mem>>) src(%dma_wait3A_40 : memref<1x128xi32, #tpu.memory_space<hbm>>) dst(%arg9 : memref<1x128xi32, #tpu.memory_space<vmem>>)
    %dma_start3A_41 = arith.constant 0 : i32
    %dma_start3A_42 = arith.constant 0 : i32
    %dma_start3A_43 = tpu.memref_slice %arg7[%dma_start3A_41, %dma_start3A_42] : memref<1x128xi32, #tpu.memory_space<vmem>> -> memref<1x128xi32, #tpu.memory_space<vmem>>
    %dma_start3A_44 = tpu.memref_squeeze %dma_start3A_43 : memref<1x128xi32, #tpu.memory_space<vmem>> -> memref<128xi32, #tpu.memory_space<vmem>>
    %dma_start3A_45 = arith.constant 0 : i32
    %dma_start3A_46 = arith.constant 0 : i32
    %dma_start3A_47 = tpu.memref_slice %arg2[%dma_start3A_45, %dma_start3A_46] : memref<20000x128xf32, #tpu.memory_space<hbm>> -> memref<20000x128xf32, #tpu.memory_space<hbm>>
    tpu.enqueue_indirect_dma source(%dma_start3A_47 : memref<20000x128xf32, #tpu.memory_space<hbm>>) target(%arg11 : memref<128x128xf32, #tpu.memory_space<vmem>>) offsets(%dma_start3A_44 : memref<128xi32, #tpu.memory_space<vmem>>) semaphore(%arg16 : memref<!tpu.dma_semaphore, #tpu.memory_space<semaphore_mem>>)
    %barrier3A = arith.constant 0 : index
    tpu.barrier barrier_id(%barrier3A)
    %scan3A = arith.constant 0 : i32
    %scan3A_48 = arith.constant 0 : i32
    %scan3A_49 = arith.constant 80 : i32
    %scan3A_50 = arith.addi %scan3A_48, %scan3A_49 : i32
    %scan3A_51 = arith.constant 1 : i32
    scf.for %scan3A_58 = %scan3A_48 to %scan3A_50 step %scan3A_51  : i32 {
      %mul3A_59 = arith.constant 2 : i32
      %mul3A_60 = arith.muli %scan3A_58, %mul3A_59 : i32
      %add3A_61 = arith.constant 1 : i32
      %add3A_62 = arith.addi %mul3A_60, %add3A_61 : i32
      %lt3A = arith.constant 160 : i32
      %lt3A_63 = arith.cmpi slt, %add3A_62, %lt3A : i32
      %convert_element_type3A = arith.extui %lt3A_63 : i1 to i32
      %cond3A = arith.constant 0 : i32
      %cond3A_64 = arith.cmpi ne, %convert_element_type3A, %cond3A : i32
      scf.if %cond3A_64 {
        %dma_wait3A_105 = arith.constant 0 : i32
        %dma_wait3A_106 = arith.constant 0 : i32
        %dma_wait3A_107 = tpu.memref_slice %arg3[%dma_wait3A_105, %dma_wait3A_106] : memref<5120x128xi32, #tpu.memory_space<hbm>> -> memref<1x128xi32, #tpu.memory_space<hbm>>
        %dma_wait3A_108 = arith.constant 0 : i32
        %dma_wait3A_109 = arith.constant 0 : i32
        %dma_wait3A_110 = tpu.memref_slice %arg3[%dma_wait3A_108, %dma_wait3A_109] : memref<5120x128xi32, #tpu.memory_space<hbm>> -> memref<1x128xi32, #tpu.memory_space<hbm>>
        tpu.wait_dma2 semaphore(%arg15 : memref<!tpu.dma_semaphore, #tpu.memory_space<semaphore_mem>>) src(%dma_wait3A_110 : memref<1x128xi32, #tpu.memory_space<hbm>>) dst(%arg8 : memref<1x128xi32, #tpu.memory_space<vmem>>)
        %dma_wait3A_111 = arith.constant 0 : i32
        %dma_wait3A_112 = arith.constant 0 : i32
        %dma_wait3A_113 = tpu.memref_slice %arg4[%dma_wait3A_111, %dma_wait3A_112] : memref<2560x128xi32, #tpu.memory_space<hbm>> -> memref<1x128xi32, #tpu.memory_space<hbm>>
        %dma_wait3A_114 = arith.constant 0 : i32
        %dma_wait3A_115 = arith.constant 0 : i32
        %dma_wait3A_116 = tpu.memref_slice %arg4[%dma_wait3A_114, %dma_wait3A_115] : memref<2560x128xi32, #tpu.memory_space<hbm>> -> memref<1x128xi32, #tpu.memory_space<hbm>>
        tpu.wait_dma2 semaphore(%arg15 : memref<!tpu.dma_semaphore, #tpu.memory_space<semaphore_mem>>) src(%dma_wait3A_116 : memref<1x128xi32, #tpu.memory_space<hbm>>) dst(%arg10 : memref<1x128xi32, #tpu.memory_space<vmem>>)
        %dma_start3A_117 = arith.constant 0 : i32
        %dma_start3A_118 = arith.constant 0 : i32
        %dma_start3A_119 = tpu.memref_slice %arg8[%dma_start3A_117, %dma_start3A_118] : memref<1x128xi32, #tpu.memory_space<vmem>> -> memref<1x128xi32, #tpu.memory_space<vmem>>
        %dma_start3A_120 = tpu.memref_squeeze %dma_start3A_119 : memref<1x128xi32, #tpu.memory_space<vmem>> -> memref<128xi32, #tpu.memory_space<vmem>>
        %dma_start3A_121 = arith.constant 0 : i32
        %dma_start3A_122 = arith.constant 0 : i32
        %dma_start3A_123 = tpu.memref_slice %arg2[%dma_start3A_121, %dma_start3A_122] : memref<20000x128xf32, #tpu.memory_space<hbm>> -> memref<20000x128xf32, #tpu.memory_space<hbm>>
        tpu.enqueue_indirect_dma source(%dma_start3A_123 : memref<20000x128xf32, #tpu.memory_space<hbm>>) target(%arg12 : memref<128x128xf32, #tpu.memory_space<vmem>>) offsets(%dma_start3A_120 : memref<128xi32, #tpu.memory_space<vmem>>) semaphore(%arg17 : memref<!tpu.dma_semaphore, #tpu.memory_space<semaphore_mem>>)
      } else {
      }
      %dma_wait3A_65 = arith.constant 0 : i32
      %dma_wait3A_66 = arith.constant 0 : i32
      %dma_wait3A_67 = tpu.memref_slice %arg7[%dma_wait3A_65, %dma_wait3A_66] : memref<1x128xi32, #tpu.memory_space<vmem>> -> memref<1x128xi32, #tpu.memory_space<vmem>>
      %dma_wait3A_68 = tpu.memref_squeeze %dma_wait3A_67 : memref<1x128xi32, #tpu.memory_space<vmem>> -> memref<128xi32, #tpu.memory_space<vmem>>
      %dma_wait3A_69 = arith.constant 0 : i32
      %dma_wait3A_70 = arith.constant 0 : i32
      %dma_wait3A_71 = tpu.memref_slice %arg2[%dma_wait3A_69, %dma_wait3A_70] : memref<20000x128xf32, #tpu.memory_space<hbm>> -> memref<20000x128xf32, #tpu.memory_space<hbm>>
      tpu.wait_indirect_dma semaphore(%arg16 : memref<!tpu.dma_semaphore, #tpu.memory_space<semaphore_mem>>) src(%dma_wait3A_71 : memref<20000x128xf32, #tpu.memory_space<hbm>>) dst(%arg11 : memref<128x128xf32, #tpu.memory_space<vmem>>)
      %run_scoped3A = arith.constant 0 : i32
      "tpu.region"() ({
        %run_scoped3A_105 = tpu.sem_alloc : memref<!tpu.dma_semaphore, #tpu.memory_space<semaphore_mem>>
        %dma_start3A_106 = arith.constant 0 : i32
        %dma_start3A_107 = tpu.memref_slice %arg9[%run_scoped3A, %dma_start3A_106] : memref<1x128xi32, #tpu.memory_space<vmem>> -> memref<1x128xi32, #tpu.memory_space<vmem>>
        %dma_start3A_108 = tpu.memref_squeeze %dma_start3A_107 : memref<1x128xi32, #tpu.memory_space<vmem>> -> memref<128xi32, #tpu.memory_space<vmem>>
        %dma_start3A_109 = arith.constant 0 : i32
        %dma_start3A_110 = arith.constant 0 : i32
        %dma_start3A_111 = tpu.memref_slice %arg13[%dma_start3A_109, %dma_start3A_110] : memref<10240x128xf32, #tpu.memory_space<vmem_shared>> -> memref<10240x128xf32, #tpu.memory_space<vmem_shared>>
        tpu.enqueue_indirect_dma source(%arg11 : memref<128x128xf32, #tpu.memory_space<vmem>>) target(%dma_start3A_111 : memref<10240x128xf32, #tpu.memory_space<vmem_shared>>) offsets(%dma_start3A_108 : memref<128xi32, #tpu.memory_space<vmem>>) semaphore(%run_scoped3A_105 : memref<!tpu.dma_semaphore, #tpu.memory_space<semaphore_mem>>) {add = true}
        %dma_wait3A_112 = arith.constant 0 : i32
        %dma_wait3A_113 = tpu.memref_slice %arg9[%run_scoped3A, %dma_wait3A_112] : memref<1x128xi32, #tpu.memory_space<vmem>> -> memref<1x128xi32, #tpu.memory_space<vmem>>
        %dma_wait3A_114 = tpu.memref_squeeze %dma_wait3A_113 : memref<1x128xi32, #tpu.memory_space<vmem>> -> memref<128xi32, #tpu.memory_space<vmem>>
        %dma_wait3A_115 = arith.constant 0 : i32
        %dma_wait3A_116 = arith.constant 0 : i32
        %dma_wait3A_117 = tpu.memref_slice %arg13[%dma_wait3A_115, %dma_wait3A_116] : memref<10240x128xf32, #tpu.memory_space<vmem_shared>> -> memref<10240x128xf32, #tpu.memory_space<vmem_shared>>
        tpu.wait_indirect_dma semaphore(%run_scoped3A_105 : memref<!tpu.dma_semaphore, #tpu.memory_space<semaphore_mem>>) src(%arg11 : memref<128x128xf32, #tpu.memory_space<vmem>>) dst(%dma_wait3A_117 : memref<10240x128xf32, #tpu.memory_space<vmem_shared>>)
        tpu.yield
      }) : () -> ()
      %add3A_72 = arith.constant 2 : i32
      %add3A_73 = arith.addi %mul3A_60, %add3A_72 : i32
      %lt3A_74 = arith.constant 160 : i32
      %lt3A_75 = arith.cmpi slt, %add3A_73, %lt3A_74 : i32
      %convert_element_type3A_76 = arith.extui %lt3A_75 : i1 to i32
      %cond3A_77 = arith.constant 0 : i32
      %cond3A_78 = arith.cmpi ne, %convert_element_type3A_76, %cond3A_77 : i32
      scf.if %cond3A_78 {
        %add3A_105 = arith.constant 2 : i32
        %add3A_106 = arith.addi %mul3A_60, %add3A_105 : i32
        %add3A_107 = arith.addi %add3A, %add3A_106 : i32
        %dma_start3A_108 = arith.constant 0 : i32
        %dma_start3A_109 = tpu.memref_slice %arg3[%add3A_107, %dma_start3A_108] : memref<5120x128xi32, #tpu.memory_space<hbm>> -> memref<1x128xi32, #tpu.memory_space<hbm>>
        %dma_start3A_110 = arith.constant 0 : i32
        %dma_start3A_111 = tpu.memref_slice %arg3[%add3A_107, %dma_start3A_110] : memref<5120x128xi32, #tpu.memory_space<hbm>> -> memref<1x128xi32, #tpu.memory_space<hbm>>
        tpu.enqueue_dma source(%dma_start3A_111 : memref<1x128xi32, #tpu.memory_space<hbm>>) target(%arg7 : memref<1x128xi32, #tpu.memory_space<vmem>>) target_semaphore(%arg14 : memref<!tpu.dma_semaphore, #tpu.memory_space<semaphore_mem>>)
        %add3A_112 = arith.addi %mul3A_4, %add3A_106 : i32
        %dma_start3A_113 = arith.constant 0 : i32
        %dma_start3A_114 = tpu.memref_slice %arg4[%add3A_112, %dma_start3A_113] : memref<2560x128xi32, #tpu.memory_space<hbm>> -> memref<1x128xi32, #tpu.memory_space<hbm>>
        %dma_start3A_115 = arith.constant 0 : i32
        %dma_start3A_116 = tpu.memref_slice %arg4[%add3A_112, %dma_start3A_115] : memref<2560x128xi32, #tpu.memory_space<hbm>> -> memref<1x128xi32, #tpu.memory_space<hbm>>
        tpu.enqueue_dma source(%dma_start3A_116 : memref<1x128xi32, #tpu.memory_space<hbm>>) target(%arg9 : memref<1x128xi32, #tpu.memory_space<vmem>>) target_semaphore(%arg14 : memref<!tpu.dma_semaphore, #tpu.memory_space<semaphore_mem>>)
      } else {
      }
      %mul3A_79 = arith.constant 2 : i32
      %mul3A_80 = arith.muli %scan3A_58, %mul3A_79 : i32
      %add3A_81 = arith.constant 1 : i32
      %add3A_82 = arith.addi %mul3A_80, %add3A_81 : i32
      %add3A_83 = arith.constant 1 : i32
      %add3A_84 = arith.addi %add3A_82, %add3A_83 : i32
      %lt3A_85 = arith.constant 160 : i32
      %lt3A_86 = arith.cmpi slt, %add3A_84, %lt3A_85 : i32
      %convert_element_type3A_87 = arith.extui %lt3A_86 : i1 to i32
      %cond3A_88 = arith.constant 0 : i32
      %cond3A_89 = arith.cmpi ne, %convert_element_type3A_87, %cond3A_88 : i32
      scf.if %cond3A_89 {
        %dma_wait3A_105 = arith.constant 0 : i32
        %dma_wait3A_106 = arith.constant 0 : i32
        %dma_wait3A_107 = tpu.memref_slice %arg3[%dma_wait3A_105, %dma_wait3A_106] : memref<5120x128xi32, #tpu.memory_space<hbm>> -> memref<1x128xi32, #tpu.memory_space<hbm>>
        %dma_wait3A_108 = arith.constant 0 : i32
        %dma_wait3A_109 = arith.constant 0 : i32
        %dma_wait3A_110 = tpu.memref_slice %arg3[%dma_wait3A_108, %dma_wait3A_109] : memref<5120x128xi32, #tpu.memory_space<hbm>> -> memref<1x128xi32, #tpu.memory_space<hbm>>
        tpu.wait_dma2 semaphore(%arg14 : memref<!tpu.dma_semaphore, #tpu.memory_space<semaphore_mem>>) src(%dma_wait3A_110 : memref<1x128xi32, #tpu.memory_space<hbm>>) dst(%arg7 : memref<1x128xi32, #tpu.memory_space<vmem>>)
        %dma_wait3A_111 = arith.constant 0 : i32
        %dma_wait3A_112 = arith.constant 0 : i32
        %dma_wait3A_113 = tpu.memref_slice %arg4[%dma_wait3A_111, %dma_wait3A_112] : memref<2560x128xi32, #tpu.memory_space<hbm>> -> memref<1x128xi32, #tpu.memory_space<hbm>>
        %dma_wait3A_114 = arith.constant 0 : i32
        %dma_wait3A_115 = arith.constant 0 : i32
        %dma_wait3A_116 = tpu.memref_slice %arg4[%dma_wait3A_114, %dma_wait3A_115] : memref<2560x128xi32, #tpu.memory_space<hbm>> -> memref<1x128xi32, #tpu.memory_space<hbm>>
        tpu.wait_dma2 semaphore(%arg14 : memref<!tpu.dma_semaphore, #tpu.memory_space<semaphore_mem>>) src(%dma_wait3A_116 : memref<1x128xi32, #tpu.memory_space<hbm>>) dst(%arg9 : memref<1x128xi32, #tpu.memory_space<vmem>>)
        %dma_start3A_117 = arith.constant 0 : i32
        %dma_start3A_118 = arith.constant 0 : i32
        %dma_start3A_119 = tpu.memref_slice %arg7[%dma_start3A_117, %dma_start3A_118] : memref<1x128xi32, #tpu.memory_space<vmem>> -> memref<1x128xi32, #tpu.memory_space<vmem>>
        %dma_start3A_120 = tpu.memref_squeeze %dma_start3A_119 : memref<1x128xi32, #tpu.memory_space<vmem>> -> memref<128xi32, #tpu.memory_space<vmem>>
        %dma_start3A_121 = arith.constant 0 : i32
        %dma_start3A_122 = arith.constant 0 : i32
        %dma_start3A_123 = tpu.memref_slice %arg2[%dma_start3A_121, %dma_start3A_122] : memref<20000x128xf32, #tpu.memory_space<hbm>> -> memref<20000x128xf32, #tpu.memory_space<hbm>>
        tpu.enqueue_indirect_dma source(%dma_start3A_123 : memref<20000x128xf32, #tpu.memory_space<hbm>>) target(%arg11 : memref<128x128xf32, #tpu.memory_space<vmem>>) offsets(%dma_start3A_120 : memref<128xi32, #tpu.memory_space<vmem>>) semaphore(%arg16 : memref<!tpu.dma_semaphore, #tpu.memory_space<semaphore_mem>>)
      } else {
      }
      %dma_wait3A_90 = arith.constant 0 : i32
      %dma_wait3A_91 = arith.constant 0 : i32
      %dma_wait3A_92 = tpu.memref_slice %arg8[%dma_wait3A_90, %dma_wait3A_91] : memref<1x128xi32, #tpu.memory_space<vmem>> -> memref<1x128xi32, #tpu.memory_space<vmem>>
      %dma_wait3A_93 = tpu.memref_squeeze %dma_wait3A_92 : memref<1x128xi32, #tpu.memory_space<vmem>> -> memref<128xi32, #tpu.memory_space<vmem>>
      %dma_wait3A_94 = arith.constant 0 : i32
      %dma_wait3A_95 = arith.constant 0 : i32
      %dma_wait3A_96 = tpu.memref_slice %arg2[%dma_wait3A_94, %dma_wait3A_95] : memref<20000x128xf32, #tpu.memory_space<hbm>> -> memref<20000x128xf32, #tpu.memory_space<hbm>>
      tpu.wait_indirect_dma semaphore(%arg17 : memref<!tpu.dma_semaphore, #tpu.memory_space<semaphore_mem>>) src(%dma_wait3A_96 : memref<20000x128xf32, #tpu.memory_space<hbm>>) dst(%arg12 : memref<128x128xf32, #tpu.memory_space<vmem>>)
      %run_scoped3A_97 = arith.constant 0 : i32
      "tpu.region"() ({
        %run_scoped3A_105 = tpu.sem_alloc : memref<!tpu.dma_semaphore, #tpu.memory_space<semaphore_mem>>
        %dma_start3A_106 = arith.constant 0 : i32
        %dma_start3A_107 = tpu.memref_slice %arg10[%run_scoped3A_97, %dma_start3A_106] : memref<1x128xi32, #tpu.memory_space<vmem>> -> memref<1x128xi32, #tpu.memory_space<vmem>>
        %dma_start3A_108 = tpu.memref_squeeze %dma_start3A_107 : memref<1x128xi32, #tpu.memory_space<vmem>> -> memref<128xi32, #tpu.memory_space<vmem>>
        %dma_start3A_109 = arith.constant 0 : i32
        %dma_start3A_110 = arith.constant 0 : i32
        %dma_start3A_111 = tpu.memref_slice %arg13[%dma_start3A_109, %dma_start3A_110] : memref<10240x128xf32, #tpu.memory_space<vmem_shared>> -> memref<10240x128xf32, #tpu.memory_space<vmem_shared>>
        tpu.enqueue_indirect_dma source(%arg12 : memref<128x128xf32, #tpu.memory_space<vmem>>) target(%dma_start3A_111 : memref<10240x128xf32, #tpu.memory_space<vmem_shared>>) offsets(%dma_start3A_108 : memref<128xi32, #tpu.memory_space<vmem>>) semaphore(%run_scoped3A_105 : memref<!tpu.dma_semaphore, #tpu.memory_space<semaphore_mem>>) {add = true}
        %dma_wait3A_112 = arith.constant 0 : i32
        %dma_wait3A_113 = tpu.memref_slice %arg10[%run_scoped3A_97, %dma_wait3A_112] : memref<1x128xi32, #tpu.memory_space<vmem>> -> memref<1x128xi32, #tpu.memory_space<vmem>>
        %dma_wait3A_114 = tpu.memref_squeeze %dma_wait3A_113 : memref<1x128xi32, #tpu.memory_space<vmem>> -> memref<128xi32, #tpu.memory_space<vmem>>
        %dma_wait3A_115 = arith.constant 0 : i32
        %dma_wait3A_116 = arith.constant 0 : i32
        %dma_wait3A_117 = tpu.memref_slice %arg13[%dma_wait3A_115, %dma_wait3A_116] : memref<10240x128xf32, #tpu.memory_space<vmem_shared>> -> memref<10240x128xf32, #tpu.memory_space<vmem_shared>>
        tpu.wait_indirect_dma semaphore(%run_scoped3A_105 : memref<!tpu.dma_semaphore, #tpu.memory_space<semaphore_mem>>) src(%arg12 : memref<128x128xf32, #tpu.memory_space<vmem>>) dst(%dma_wait3A_117 : memref<10240x128xf32, #tpu.memory_space<vmem_shared>>)
        tpu.yield
      }) : () -> ()
      %add3A_98 = arith.constant 2 : i32
      %add3A_99 = arith.addi %add3A_82, %add3A_98 : i32
      %lt3A_100 = arith.constant 160 : i32
      %lt3A_101 = arith.cmpi slt, %add3A_99, %lt3A_100 : i32
      %convert_element_type3A_102 = arith.extui %lt3A_101 : i1 to i32
      %cond3A_103 = arith.constant 0 : i32
      %cond3A_104 = arith.cmpi ne, %convert_element_type3A_102, %cond3A_103 : i32
      scf.if %cond3A_104 {
        %add3A_105 = arith.constant 2 : i32
        %add3A_106 = arith.addi %add3A_82, %add3A_105 : i32
        %add3A_107 = arith.addi %add3A, %add3A_106 : i32
        %dma_start3A_108 = arith.constant 0 : i32
        %dma_start3A_109 = tpu.memref_slice %arg3[%add3A_107, %dma_start3A_108] : memref<5120x128xi32, #tpu.memory_space<hbm>> -> memref<1x128xi32, #tpu.memory_space<hbm>>
        %dma_start3A_110 = arith.constant 0 : i32
        %dma_start3A_111 = tpu.memref_slice %arg3[%add3A_107, %dma_start3A_110] : memref<5120x128xi32, #tpu.memory_space<hbm>> -> memref<1x128xi32, #tpu.memory_space<hbm>>
        tpu.enqueue_dma source(%dma_start3A_111 : memref<1x128xi32, #tpu.memory_space<hbm>>) target(%arg8 : memref<1x128xi32, #tpu.memory_space<vmem>>) target_semaphore(%arg15 : memref<!tpu.dma_semaphore, #tpu.memory_space<semaphore_mem>>)
        %add3A_112 = arith.addi %mul3A_4, %add3A_106 : i32
        %dma_start3A_113 = arith.constant 0 : i32
        %dma_start3A_114 = tpu.memref_slice %arg4[%add3A_112, %dma_start3A_113] : memref<2560x128xi32, #tpu.memory_space<hbm>> -> memref<1x128xi32, #tpu.memory_space<hbm>>
        %dma_start3A_115 = arith.constant 0 : i32
        %dma_start3A_116 = tpu.memref_slice %arg4[%add3A_112, %dma_start3A_115] : memref<2560x128xi32, #tpu.memory_space<hbm>> -> memref<1x128xi32, #tpu.memory_space<hbm>>
        tpu.enqueue_dma source(%dma_start3A_116 : memref<1x128xi32, #tpu.memory_space<hbm>>) target(%arg10 : memref<1x128xi32, #tpu.memory_space<vmem>>) target_semaphore(%arg15 : memref<!tpu.dma_semaphore, #tpu.memory_space<semaphore_mem>>)
      } else {
      }
    }
    %scan3A_52 = arith.constant 80 : i32
    %barrier3A_53 = arith.constant 0 : index
    tpu.barrier barrier_id(%barrier3A_53)
    %mul3A_54 = arith.constant 640 : i32
    %mul3A_55 = arith.muli %arg1, %mul3A_54 : i32
    %mul3A_56 = arith.constant 640 : i32
    %mul3A_57 = arith.muli %arg1, %mul3A_56 : i32
    "tpu.region"() ({
      %run_scoped3A = tpu.sem_alloc : memref<!tpu.dma_semaphore, #tpu.memory_space<semaphore_mem>>
      %dma_start3A_58 = arith.constant 0 : i32
      %dma_start3A_59 = tpu.memref_slice %arg6[%arg0, %mul3A_57, %dma_start3A_58] : memref<2x10240x128xf32, #tpu.memory_space<hbm>> -> memref<1x640x128xf32, #tpu.memory_space<hbm>>
      %dma_start3A_60 = tpu.memref_squeeze %dma_start3A_59 : memref<1x640x128xf32, #tpu.memory_space<hbm>> -> memref<640x128xf32, #tpu.memory_space<hbm>>
      %dma_start3A_61 = arith.constant 0 : i32
      %dma_start3A_62 = tpu.memref_slice %arg13[%mul3A_55, %dma_start3A_61] : memref<10240x128xf32, #tpu.memory_space<vmem_shared>> -> memref<640x128xf32, #tpu.memory_space<vmem_shared>>
      tpu.enqueue_dma source(%dma_start3A_62 : memref<640x128xf32, #tpu.memory_space<vmem_shared>>) target(%dma_start3A_60 : memref<640x128xf32, #tpu.memory_space<hbm>>) target_semaphore(%run_scoped3A : memref<!tpu.dma_semaphore, #tpu.memory_space<semaphore_mem>>)
      %dma_wait3A_63 = arith.constant 0 : i32
      %dma_wait3A_64 = tpu.memref_slice %arg6[%arg0, %mul3A_57, %dma_wait3A_63] : memref<2x10240x128xf32, #tpu.memory_space<hbm>> -> memref<1x640x128xf32, #tpu.memory_space<hbm>>
      %dma_wait3A_65 = tpu.memref_squeeze %dma_wait3A_64 : memref<1x640x128xf32, #tpu.memory_space<hbm>> -> memref<640x128xf32, #tpu.memory_space<hbm>>
      %dma_wait3A_66 = arith.constant 0 : i32
      %dma_wait3A_67 = tpu.memref_slice %arg13[%mul3A_55, %dma_wait3A_66] : memref<10240x128xf32, #tpu.memory_space<vmem_shared>> -> memref<640x128xf32, #tpu.memory_space<vmem_shared>>
      tpu.wait_dma2 semaphore(%run_scoped3A : memref<!tpu.dma_semaphore, #tpu.memory_space<semaphore_mem>>) src(%dma_wait3A_67 : memref<640x128xf32, #tpu.memory_space<vmem_shared>>) dst(%dma_wait3A_65 : memref<640x128xf32, #tpu.memory_space<hbm>>)
      tpu.yield
    }) : () -> ()
    return
  }
}

#map = affine_map<(d0, d1) -> (0, 0)>
#map1 = affine_map<(d0, d1) -> (0, 0, 0)>
module attributes {stable_mosaic.version = 14 : i64} {
  func.func @body(%arg0: i32, %arg1: i32, %arg2: memref<20000x128xf32, #tpu.memory_space<hbm>>, %arg3: memref<5120x128xi32, #tpu.memory_space<hbm>>, %arg4: memref<2560x128xi32, #tpu.memory_space<hbm>>, %arg5: memref<640x128xf32, #tpu.memory_space<hbm>>, %arg6: memref<2x10240x128xf32, #tpu.memory_space<hbm>>, %arg7: memref<1x128xi32, #tpu.memory_space<vmem>>, %arg8: memref<1x128xi32, #tpu.memory_space<vmem>>, %arg9: memref<1x128xi32, #tpu.memory_space<vmem>>, %arg10: memref<1x128xi32, #tpu.memory_space<vmem>>, %arg11: memref<128x128xf32, #tpu.memory_space<vmem>>, %arg12: memref<128x128xf32, #tpu.memory_space<vmem>>, %arg13: memref<10240x128xf32, #tpu.memory_space<vmem_shared>>, %arg14: memref<!tpu.dma_semaphore, #tpu.memory_space<semaphore_mem>>, %arg15: memref<!tpu.dma_semaphore, #tpu.memory_space<semaphore_mem>>, %arg16: memref<!tpu.dma_semaphore, #tpu.memory_space<semaphore_mem>>, %arg17: memref<!tpu.dma_semaphore, #tpu.memory_space<semaphore_mem>>) attributes {dimension_semantics = [#tpu.dimension_semantics<core_parallel>, #tpu.dimension_semantics<subcore_parallel>], iteration_bounds = array<i64: 2, 16>, scalar_prefetch = 0 : i64, scratch_operands = 11 : i64, tpu.core_type = #tpu.core_type<sc_vector_subcore>, window_params = [{transform_indices = #map}, {transform_indices = #map}, {transform_indices = #map}, {transform_indices = #map}, {transform_indices = #map1}]} {
    %mul3A = arith.constant 2560 : i32
    %mul3A_0 = arith.muli %arg0, %mul3A : i32
    %mul3A_1 = arith.constant 160 : i32
    %mul3A_2 = arith.muli %arg1, %mul3A_1 : i32
    %add3A = arith.addi %mul3A_0, %mul3A_2 : i32
    %mul3A_3 = arith.constant 160 : i32
    %mul3A_4 = arith.muli %arg1, %mul3A_3 : i32
    %mul3A_5 = arith.constant 640 : i32
    %mul3A_6 = arith.muli %arg1, %mul3A_5 : i32
    "tpu.region"() ({
      %run_scoped3A = tpu.sem_alloc : memref<!tpu.dma_semaphore, #tpu.memory_space<semaphore_mem>>
      %dma_start3A_58 = arith.constant 0 : i32
      %dma_start3A_59 = tpu.memref_slice %arg13[%mul3A_6, %dma_start3A_58] : memref<10240x128xf32, #tpu.memory_space<vmem_shared>> -> memref<640x128xf32, #tpu.memory_space<vmem_shared>>
      tpu.enqueue_dma source(%arg5 : memref<640x128xf32, #tpu.memory_space<hbm>>) target(%dma_start3A_59 : memref<640x128xf32, #tpu.memory_space<vmem_shared>>) target_semaphore(%run_scoped3A : memref<!tpu.dma_semaphore, #tpu.memory_space<semaphore_mem>>)
      %dma_wait3A_60 = arith.constant 0 : i32
      %dma_wait3A_61 = tpu.memref_slice %arg13[%mul3A_6, %dma_wait3A_60] : memref<10240x128xf32, #tpu.memory_space<vmem_shared>> -> memref<640x128xf32, #tpu.memory_space<vmem_shared>>
      tpu.wait_dma2 semaphore(%run_scoped3A : memref<!tpu.dma_semaphore, #tpu.memory_space<semaphore_mem>>) src(%arg5 : memref<640x128xf32, #tpu.memory_space<hbm>>) dst(%dma_wait3A_61 : memref<640x128xf32, #tpu.memory_space<vmem_shared>>)
      tpu.yield
    }) : () -> ()
    %add3A_7 = arith.constant 0 : i32
    %add3A_8 = arith.addi %add3A, %add3A_7 : i32
    %dma_start3A = arith.constant 0 : i32
    %dma_start3A_9 = tpu.memref_slice %arg3[%add3A_8, %dma_start3A] : memref<5120x128xi32, #tpu.memory_space<hbm>> -> memref<1x128xi32, #tpu.memory_space<hbm>>
    %dma_start3A_10 = arith.constant 0 : i32
    %dma_start3A_11 = tpu.memref_slice %arg3[%add3A_8, %dma_start3A_10] : memref<5120x128xi32, #tpu.memory_space<hbm>> -> memref<1x128xi32, #tpu.memory_space<hbm>>
    tpu.enqueue_dma source(%dma_start3A_11 : memref<1x128xi32, #tpu.memory_space<hbm>>) target(%arg7 : memref<1x128xi32, #tpu.memory_space<vmem>>) target_semaphore(%arg14 : memref<!tpu.dma_semaphore, #tpu.memory_space<semaphore_mem>>)
    %add3A_12 = arith.constant 0 : i32
    %add3A_13 = arith.addi %mul3A_4, %add3A_12 : i32
    %dma_start3A_14 = arith.constant 0 : i32
    %dma_start3A_15 = tpu.memref_slice %arg4[%add3A_13, %dma_start3A_14] : memref<2560x128xi32, #tpu.memory_space<hbm>> -> memref<1x128xi32, #tpu.memory_space<hbm>>
    %dma_start3A_16 = arith.constant 0 : i32
    %dma_start3A_17 = tpu.memref_slice %arg4[%add3A_13, %dma_start3A_16] : memref<2560x128xi32, #tpu.memory_space<hbm>> -> memref<1x128xi32, #tpu.memory_space<hbm>>
    tpu.enqueue_dma source(%dma_start3A_17 : memref<1x128xi32, #tpu.memory_space<hbm>>) target(%arg9 : memref<1x128xi32, #tpu.memory_space<vmem>>) target_semaphore(%arg14 : memref<!tpu.dma_semaphore, #tpu.memory_space<semaphore_mem>>)
    %add3A_18 = arith.constant 1 : i32
    %add3A_19 = arith.addi %add3A, %add3A_18 : i32
    %dma_start3A_20 = arith.constant 0 : i32
    %dma_start3A_21 = tpu.memref_slice %arg3[%add3A_19, %dma_start3A_20] : memref<5120x128xi32, #tpu.memory_space<hbm>> -> memref<1x128xi32, #tpu.memory_space<hbm>>
    %dma_start3A_22 = arith.constant 0 : i32
    %dma_start3A_23 = tpu.memref_slice %arg3[%add3A_19, %dma_start3A_22] : memref<5120x128xi32, #tpu.memory_space<hbm>> -> memref<1x128xi32, #tpu.memory_space<hbm>>
    tpu.enqueue_dma source(%dma_start3A_23 : memref<1x128xi32, #tpu.memory_space<hbm>>) target(%arg8 : memref<1x128xi32, #tpu.memory_space<vmem>>) target_semaphore(%arg15 : memref<!tpu.dma_semaphore, #tpu.memory_space<semaphore_mem>>)
    %add3A_24 = arith.constant 1 : i32
    %add3A_25 = arith.addi %mul3A_4, %add3A_24 : i32
    %dma_start3A_26 = arith.constant 0 : i32
    %dma_start3A_27 = tpu.memref_slice %arg4[%add3A_25, %dma_start3A_26] : memref<2560x128xi32, #tpu.memory_space<hbm>> -> memref<1x128xi32, #tpu.memory_space<hbm>>
    %dma_start3A_28 = arith.constant 0 : i32
    %dma_start3A_29 = tpu.memref_slice %arg4[%add3A_25, %dma_start3A_28] : memref<2560x128xi32, #tpu.memory_space<hbm>> -> memref<1x128xi32, #tpu.memory_space<hbm>>
    tpu.enqueue_dma source(%dma_start3A_29 : memref<1x128xi32, #tpu.memory_space<hbm>>) target(%arg10 : memref<1x128xi32, #tpu.memory_space<vmem>>) target_semaphore(%arg15 : memref<!tpu.dma_semaphore, #tpu.memory_space<semaphore_mem>>)
    %dma_wait3A = arith.constant 0 : i32
    %dma_wait3A_30 = arith.constant 0 : i32
    %dma_wait3A_31 = tpu.memref_slice %arg3[%dma_wait3A, %dma_wait3A_30] : memref<5120x128xi32, #tpu.memory_space<hbm>> -> memref<1x128xi32, #tpu.memory_space<hbm>>
    %dma_wait3A_32 = arith.constant 0 : i32
    %dma_wait3A_33 = arith.constant 0 : i32
    %dma_wait3A_34 = tpu.memref_slice %arg3[%dma_wait3A_32, %dma_wait3A_33] : memref<5120x128xi32, #tpu.memory_space<hbm>> -> memref<1x128xi32, #tpu.memory_space<hbm>>
    tpu.wait_dma2 semaphore(%arg14 : memref<!tpu.dma_semaphore, #tpu.memory_space<semaphore_mem>>) src(%dma_wait3A_34 : memref<1x128xi32, #tpu.memory_space<hbm>>) dst(%arg7 : memref<1x128xi32, #tpu.memory_space<vmem>>)
    %dma_wait3A_35 = arith.constant 0 : i32
    %dma_wait3A_36 = arith.constant 0 : i32
    %dma_wait3A_37 = tpu.memref_slice %arg4[%dma_wait3A_35, %dma_wait3A_36] : memref<2560x128xi32, #tpu.memory_space<hbm>> -> memref<1x128xi32, #tpu.memory_space<hbm>>
    %dma_wait3A_38 = arith.constant 0 : i32
    %dma_wait3A_39 = arith.constant 0 : i32
    %dma_wait3A_40 = tpu.memref_slice %arg4[%dma_wait3A_38, %dma_wait3A_39] : memref<2560x128xi32, #tpu.memory_space<hbm>> -> memref<1x128xi32, #tpu.memory_space<hbm>>
    tpu.wait_dma2 semaphore(%arg14 : memref<!tpu.dma_semaphore, #tpu.memory_space<semaphore_mem>>) src(%dma_wait3A_40 : memref<1x128xi32, #tpu.memory_space<hbm>>) dst(%arg9 : memref<1x128xi32, #tpu.memory_space<vmem>>)
    %dma_start3A_41 = arith.constant 0 : i32
    %dma_start3A_42 = arith.constant 0 : i32
    %dma_start3A_43 = tpu.memref_slice %arg7[%dma_start3A_41, %dma_start3A_42] : memref<1x128xi32, #tpu.memory_space<vmem>> -> memref<1x128xi32, #tpu.memory_space<vmem>>
    %dma_start3A_44 = tpu.memref_squeeze %dma_start3A_43 : memref<1x128xi32, #tpu.memory_space<vmem>> -> memref<128xi32, #tpu.memory_space<vmem>>
    %dma_start3A_45 = arith.constant 0 : i32
    %dma_start3A_46 = arith.constant 0 : i32
    %dma_start3A_47 = tpu.memref_slice %arg2[%dma_start3A_45, %dma_start3A_46] : memref<20000x128xf32, #tpu.memory_space<hbm>> -> memref<20000x128xf32, #tpu.memory_space<hbm>>
    tpu.enqueue_indirect_dma source(%dma_start3A_47 : memref<20000x128xf32, #tpu.memory_space<hbm>>) target(%arg11 : memref<128x128xf32, #tpu.memory_space<vmem>>) offsets(%dma_start3A_44 : memref<128xi32, #tpu.memory_space<vmem>>) semaphore(%arg16 : memref<!tpu.dma_semaphore, #tpu.memory_space<semaphore_mem>>)
    %barrier3A = arith.constant 0 : index
    tpu.barrier barrier_id(%barrier3A)
    %scan3A = arith.constant 0 : i32
    %scan3A_48 = arith.constant 0 : i32
    %scan3A_49 = arith.constant 80 : i32
    %scan3A_50 = arith.addi %scan3A_48, %scan3A_49 : i32
    %scan3A_51 = arith.constant 1 : i32
    scf.for %scan3A_58 = %scan3A_48 to %scan3A_50 step %scan3A_51  : i32 {
      %mul3A_59 = arith.constant 2 : i32
      %mul3A_60 = arith.muli %scan3A_58, %mul3A_59 : i32
      %add3A_61 = arith.constant 1 : i32
      %add3A_62 = arith.addi %mul3A_60, %add3A_61 : i32
      %lt3A = arith.constant 160 : i32
      %lt3A_63 = arith.cmpi slt, %add3A_62, %lt3A : i32
      %convert_element_type3A = arith.extui %lt3A_63 : i1 to i32
      %cond3A = arith.constant 0 : i32
      %cond3A_64 = arith.cmpi ne, %convert_element_type3A, %cond3A : i32
      scf.if %cond3A_64 {
        %dma_wait3A_105 = arith.constant 0 : i32
        %dma_wait3A_106 = arith.constant 0 : i32
        %dma_wait3A_107 = tpu.memref_slice %arg3[%dma_wait3A_105, %dma_wait3A_106] : memref<5120x128xi32, #tpu.memory_space<hbm>> -> memref<1x128xi32, #tpu.memory_space<hbm>>
        %dma_wait3A_108 = arith.constant 0 : i32
        %dma_wait3A_109 = arith.constant 0 : i32
        %dma_wait3A_110 = tpu.memref_slice %arg3[%dma_wait3A_108, %dma_wait3A_109] : memref<5120x128xi32, #tpu.memory_space<hbm>> -> memref<1x128xi32, #tpu.memory_space<hbm>>
        tpu.wait_dma2 semaphore(%arg15 : memref<!tpu.dma_semaphore, #tpu.memory_space<semaphore_mem>>) src(%dma_wait3A_110 : memref<1x128xi32, #tpu.memory_space<hbm>>) dst(%arg8 : memref<1x128xi32, #tpu.memory_space<vmem>>)
        %dma_wait3A_111 = arith.constant 0 : i32
        %dma_wait3A_112 = arith.constant 0 : i32
        %dma_wait3A_113 = tpu.memref_slice %arg4[%dma_wait3A_111, %dma_wait3A_112] : memref<2560x128xi32, #tpu.memory_space<hbm>> -> memref<1x128xi32, #tpu.memory_space<hbm>>
        %dma_wait3A_114 = arith.constant 0 : i32
        %dma_wait3A_115 = arith.constant 0 : i32
        %dma_wait3A_116 = tpu.memref_slice %arg4[%dma_wait3A_114, %dma_wait3A_115] : memref<2560x128xi32, #tpu.memory_space<hbm>> -> memref<1x128xi32, #tpu.memory_space<hbm>>
        tpu.wait_dma2 semaphore(%arg15 : memref<!tpu.dma_semaphore, #tpu.memory_space<semaphore_mem>>) src(%dma_wait3A_116 : memref<1x128xi32, #tpu.memory_space<hbm>>) dst(%arg10 : memref<1x128xi32, #tpu.memory_space<vmem>>)
        %dma_start3A_117 = arith.constant 0 : i32
        %dma_start3A_118 = arith.constant 0 : i32
        %dma_start3A_119 = tpu.memref_slice %arg8[%dma_start3A_117, %dma_start3A_118] : memref<1x128xi32, #tpu.memory_space<vmem>> -> memref<1x128xi32, #tpu.memory_space<vmem>>
        %dma_start3A_120 = tpu.memref_squeeze %dma_start3A_119 : memref<1x128xi32, #tpu.memory_space<vmem>> -> memref<128xi32, #tpu.memory_space<vmem>>
        %dma_start3A_121 = arith.constant 0 : i32
        %dma_start3A_122 = arith.constant 0 : i32
        %dma_start3A_123 = tpu.memref_slice %arg2[%dma_start3A_121, %dma_start3A_122] : memref<20000x128xf32, #tpu.memory_space<hbm>> -> memref<20000x128xf32, #tpu.memory_space<hbm>>
        tpu.enqueue_indirect_dma source(%dma_start3A_123 : memref<20000x128xf32, #tpu.memory_space<hbm>>) target(%arg12 : memref<128x128xf32, #tpu.memory_space<vmem>>) offsets(%dma_start3A_120 : memref<128xi32, #tpu.memory_space<vmem>>) semaphore(%arg17 : memref<!tpu.dma_semaphore, #tpu.memory_space<semaphore_mem>>)
      } else {
      }
      %dma_wait3A_65 = arith.constant 0 : i32
      %dma_wait3A_66 = arith.constant 0 : i32
      %dma_wait3A_67 = tpu.memref_slice %arg7[%dma_wait3A_65, %dma_wait3A_66] : memref<1x128xi32, #tpu.memory_space<vmem>> -> memref<1x128xi32, #tpu.memory_space<vmem>>
      %dma_wait3A_68 = tpu.memref_squeeze %dma_wait3A_67 : memref<1x128xi32, #tpu.memory_space<vmem>> -> memref<128xi32, #tpu.memory_space<vmem>>
      %dma_wait3A_69 = arith.constant 0 : i32
      %dma_wait3A_70 = arith.constant 0 : i32
      %dma_wait3A_71 = tpu.memref_slice %arg2[%dma_wait3A_69, %dma_wait3A_70] : memref<20000x128xf32, #tpu.memory_space<hbm>> -> memref<20000x128xf32, #tpu.memory_space<hbm>>
      tpu.wait_indirect_dma semaphore(%arg16 : memref<!tpu.dma_semaphore, #tpu.memory_space<semaphore_mem>>) src(%dma_wait3A_71 : memref<20000x128xf32, #tpu.memory_space<hbm>>) dst(%arg11 : memref<128x128xf32, #tpu.memory_space<vmem>>)
      %run_scoped3A = arith.constant 0 : i32
      "tpu.region"() ({
        %run_scoped3A_105 = tpu.sem_alloc : memref<!tpu.dma_semaphore, #tpu.memory_space<semaphore_mem>>
        %dma_start3A_106 = arith.constant 0 : i32
        %dma_start3A_107 = tpu.memref_slice %arg9[%run_scoped3A, %dma_start3A_106] : memref<1x128xi32, #tpu.memory_space<vmem>> -> memref<1x128xi32, #tpu.memory_space<vmem>>
        %dma_start3A_108 = tpu.memref_squeeze %dma_start3A_107 : memref<1x128xi32, #tpu.memory_space<vmem>> -> memref<128xi32, #tpu.memory_space<vmem>>
        %dma_start3A_109 = arith.constant 0 : i32
        %dma_start3A_110 = arith.constant 0 : i32
        %dma_start3A_111 = tpu.memref_slice %arg13[%dma_start3A_109, %dma_start3A_110] : memref<10240x128xf32, #tpu.memory_space<vmem_shared>> -> memref<10240x128xf32, #tpu.memory_space<vmem_shared>>
        tpu.enqueue_indirect_dma source(%arg11 : memref<128x128xf32, #tpu.memory_space<vmem>>) target(%dma_start3A_111 : memref<10240x128xf32, #tpu.memory_space<vmem_shared>>) offsets(%dma_start3A_108 : memref<128xi32, #tpu.memory_space<vmem>>) semaphore(%run_scoped3A_105 : memref<!tpu.dma_semaphore, #tpu.memory_space<semaphore_mem>>) {add = true}
        %dma_wait3A_112 = arith.constant 0 : i32
        %dma_wait3A_113 = tpu.memref_slice %arg9[%run_scoped3A, %dma_wait3A_112] : memref<1x128xi32, #tpu.memory_space<vmem>> -> memref<1x128xi32, #tpu.memory_space<vmem>>
        %dma_wait3A_114 = tpu.memref_squeeze %dma_wait3A_113 : memref<1x128xi32, #tpu.memory_space<vmem>> -> memref<128xi32, #tpu.memory_space<vmem>>
        %dma_wait3A_115 = arith.constant 0 : i32
        %dma_wait3A_116 = arith.constant 0 : i32
        %dma_wait3A_117 = tpu.memref_slice %arg13[%dma_wait3A_115, %dma_wait3A_116] : memref<10240x128xf32, #tpu.memory_space<vmem_shared>> -> memref<10240x128xf32, #tpu.memory_space<vmem_shared>>
        tpu.wait_indirect_dma semaphore(%run_scoped3A_105 : memref<!tpu.dma_semaphore, #tpu.memory_space<semaphore_mem>>) src(%arg11 : memref<128x128xf32, #tpu.memory_space<vmem>>) dst(%dma_wait3A_117 : memref<10240x128xf32, #tpu.memory_space<vmem_shared>>)
        tpu.yield
      }) : () -> ()
      %add3A_72 = arith.constant 2 : i32
      %add3A_73 = arith.addi %mul3A_60, %add3A_72 : i32
      %lt3A_74 = arith.constant 160 : i32
      %lt3A_75 = arith.cmpi slt, %add3A_73, %lt3A_74 : i32
      %convert_element_type3A_76 = arith.extui %lt3A_75 : i1 to i32
      %cond3A_77 = arith.constant 0 : i32
      %cond3A_78 = arith.cmpi ne, %convert_element_type3A_76, %cond3A_77 : i32
      scf.if %cond3A_78 {
        %add3A_105 = arith.constant 2 : i32
        %add3A_106 = arith.addi %mul3A_60, %add3A_105 : i32
        %add3A_107 = arith.addi %add3A, %add3A_106 : i32
        %dma_start3A_108 = arith.constant 0 : i32
        %dma_start3A_109 = tpu.memref_slice %arg3[%add3A_107, %dma_start3A_108] : memref<5120x128xi32, #tpu.memory_space<hbm>> -> memref<1x128xi32, #tpu.memory_space<hbm>>
        %dma_start3A_110 = arith.constant 0 : i32
        %dma_start3A_111 = tpu.memref_slice %arg3[%add3A_107, %dma_start3A_110] : memref<5120x128xi32, #tpu.memory_space<hbm>> -> memref<1x128xi32, #tpu.memory_space<hbm>>
        tpu.enqueue_dma source(%dma_start3A_111 : memref<1x128xi32, #tpu.memory_space<hbm>>) target(%arg7 : memref<1x128xi32, #tpu.memory_space<vmem>>) target_semaphore(%arg14 : memref<!tpu.dma_semaphore, #tpu.memory_space<semaphore_mem>>)
        %add3A_112 = arith.addi %mul3A_4, %add3A_106 : i32
        %dma_start3A_113 = arith.constant 0 : i32
        %dma_start3A_114 = tpu.memref_slice %arg4[%add3A_112, %dma_start3A_113] : memref<2560x128xi32, #tpu.memory_space<hbm>> -> memref<1x128xi32, #tpu.memory_space<hbm>>
        %dma_start3A_115 = arith.constant 0 : i32
        %dma_start3A_116 = tpu.memref_slice %arg4[%add3A_112, %dma_start3A_115] : memref<2560x128xi32, #tpu.memory_space<hbm>> -> memref<1x128xi32, #tpu.memory_space<hbm>>
        tpu.enqueue_dma source(%dma_start3A_116 : memref<1x128xi32, #tpu.memory_space<hbm>>) target(%arg9 : memref<1x128xi32, #tpu.memory_space<vmem>>) target_semaphore(%arg14 : memref<!tpu.dma_semaphore, #tpu.memory_space<semaphore_mem>>)
      } else {
      }
      %mul3A_79 = arith.constant 2 : i32
      %mul3A_80 = arith.muli %scan3A_58, %mul3A_79 : i32
      %add3A_81 = arith.constant 1 : i32
      %add3A_82 = arith.addi %mul3A_80, %add3A_81 : i32
      %add3A_83 = arith.constant 1 : i32
      %add3A_84 = arith.addi %add3A_82, %add3A_83 : i32
      %lt3A_85 = arith.constant 160 : i32
      %lt3A_86 = arith.cmpi slt, %add3A_84, %lt3A_85 : i32
      %convert_element_type3A_87 = arith.extui %lt3A_86 : i1 to i32
      %cond3A_88 = arith.constant 0 : i32
      %cond3A_89 = arith.cmpi ne, %convert_element_type3A_87, %cond3A_88 : i32
      scf.if %cond3A_89 {
        %dma_wait3A_105 = arith.constant 0 : i32
        %dma_wait3A_106 = arith.constant 0 : i32
        %dma_wait3A_107 = tpu.memref_slice %arg3[%dma_wait3A_105, %dma_wait3A_106] : memref<5120x128xi32, #tpu.memory_space<hbm>> -> memref<1x128xi32, #tpu.memory_space<hbm>>
        %dma_wait3A_108 = arith.constant 0 : i32
        %dma_wait3A_109 = arith.constant 0 : i32
        %dma_wait3A_110 = tpu.memref_slice %arg3[%dma_wait3A_108, %dma_wait3A_109] : memref<5120x128xi32, #tpu.memory_space<hbm>> -> memref<1x128xi32, #tpu.memory_space<hbm>>
        tpu.wait_dma2 semaphore(%arg14 : memref<!tpu.dma_semaphore, #tpu.memory_space<semaphore_mem>>) src(%dma_wait3A_110 : memref<1x128xi32, #tpu.memory_space<hbm>>) dst(%arg7 : memref<1x128xi32, #tpu.memory_space<vmem>>)
        %dma_wait3A_111 = arith.constant 0 : i32
        %dma_wait3A_112 = arith.constant 0 : i32
        %dma_wait3A_113 = tpu.memref_slice %arg4[%dma_wait3A_111, %dma_wait3A_112] : memref<2560x128xi32, #tpu.memory_space<hbm>> -> memref<1x128xi32, #tpu.memory_space<hbm>>
        %dma_wait3A_114 = arith.constant 0 : i32
        %dma_wait3A_115 = arith.constant 0 : i32
        %dma_wait3A_116 = tpu.memref_slice %arg4[%dma_wait3A_114, %dma_wait3A_115] : memref<2560x128xi32, #tpu.memory_space<hbm>> -> memref<1x128xi32, #tpu.memory_space<hbm>>
        tpu.wait_dma2 semaphore(%arg14 : memref<!tpu.dma_semaphore, #tpu.memory_space<semaphore_mem>>) src(%dma_wait3A_116 : memref<1x128xi32, #tpu.memory_space<hbm>>) dst(%arg9 : memref<1x128xi32, #tpu.memory_space<vmem>>)
        %dma_start3A_117 = arith.constant 0 : i32
        %dma_start3A_118 = arith.constant 0 : i32
        %dma_start3A_119 = tpu.memref_slice %arg7[%dma_start3A_117, %dma_start3A_118] : memref<1x128xi32, #tpu.memory_space<vmem>> -> memref<1x128xi32, #tpu.memory_space<vmem>>
        %dma_start3A_120 = tpu.memref_squeeze %dma_start3A_119 : memref<1x128xi32, #tpu.memory_space<vmem>> -> memref<128xi32, #tpu.memory_space<vmem>>
        %dma_start3A_121 = arith.constant 0 : i32
        %dma_start3A_122 = arith.constant 0 : i32
        %dma_start3A_123 = tpu.memref_slice %arg2[%dma_start3A_121, %dma_start3A_122] : memref<20000x128xf32, #tpu.memory_space<hbm>> -> memref<20000x128xf32, #tpu.memory_space<hbm>>
        tpu.enqueue_indirect_dma source(%dma_start3A_123 : memref<20000x128xf32, #tpu.memory_space<hbm>>) target(%arg11 : memref<128x128xf32, #tpu.memory_space<vmem>>) offsets(%dma_start3A_120 : memref<128xi32, #tpu.memory_space<vmem>>) semaphore(%arg16 : memref<!tpu.dma_semaphore, #tpu.memory_space<semaphore_mem>>)
      } else {
      }
      %dma_wait3A_90 = arith.constant 0 : i32
      %dma_wait3A_91 = arith.constant 0 : i32
      %dma_wait3A_92 = tpu.memref_slice %arg8[%dma_wait3A_90, %dma_wait3A_91] : memref<1x128xi32, #tpu.memory_space<vmem>> -> memref<1x128xi32, #tpu.memory_space<vmem>>
      %dma_wait3A_93 = tpu.memref_squeeze %dma_wait3A_92 : memref<1x128xi32, #tpu.memory_space<vmem>> -> memref<128xi32, #tpu.memory_space<vmem>>
      %dma_wait3A_94 = arith.constant 0 : i32
      %dma_wait3A_95 = arith.constant 0 : i32
      %dma_wait3A_96 = tpu.memref_slice %arg2[%dma_wait3A_94, %dma_wait3A_95] : memref<20000x128xf32, #tpu.memory_space<hbm>> -> memref<20000x128xf32, #tpu.memory_space<hbm>>
      tpu.wait_indirect_dma semaphore(%arg17 : memref<!tpu.dma_semaphore, #tpu.memory_space<semaphore_mem>>) src(%dma_wait3A_96 : memref<20000x128xf32, #tpu.memory_space<hbm>>) dst(%arg12 : memref<128x128xf32, #tpu.memory_space<vmem>>)
      %run_scoped3A_97 = arith.constant 0 : i32
      "tpu.region"() ({
        %run_scoped3A_105 = tpu.sem_alloc : memref<!tpu.dma_semaphore, #tpu.memory_space<semaphore_mem>>
        %dma_start3A_106 = arith.constant 0 : i32
        %dma_start3A_107 = tpu.memref_slice %arg10[%run_scoped3A_97, %dma_start3A_106] : memref<1x128xi32, #tpu.memory_space<vmem>> -> memref<1x128xi32, #tpu.memory_space<vmem>>
        %dma_start3A_108 = tpu.memref_squeeze %dma_start3A_107 : memref<1x128xi32, #tpu.memory_space<vmem>> -> memref<128xi32, #tpu.memory_space<vmem>>
        %dma_start3A_109 = arith.constant 0 : i32
        %dma_start3A_110 = arith.constant 0 : i32
        %dma_start3A_111 = tpu.memref_slice %arg13[%dma_start3A_109, %dma_start3A_110] : memref<10240x128xf32, #tpu.memory_space<vmem_shared>> -> memref<10240x128xf32, #tpu.memory_space<vmem_shared>>
        tpu.enqueue_indirect_dma source(%arg12 : memref<128x128xf32, #tpu.memory_space<vmem>>) target(%dma_start3A_111 : memref<10240x128xf32, #tpu.memory_space<vmem_shared>>) offsets(%dma_start3A_108 : memref<128xi32, #tpu.memory_space<vmem>>) semaphore(%run_scoped3A_105 : memref<!tpu.dma_semaphore, #tpu.memory_space<semaphore_mem>>) {add = true}
        %dma_wait3A_112 = arith.constant 0 : i32
        %dma_wait3A_113 = tpu.memref_slice %arg10[%run_scoped3A_97, %dma_wait3A_112] : memref<1x128xi32, #tpu.memory_space<vmem>> -> memref<1x128xi32, #tpu.memory_space<vmem>>
        %dma_wait3A_114 = tpu.memref_squeeze %dma_wait3A_113 : memref<1x128xi32, #tpu.memory_space<vmem>> -> memref<128xi32, #tpu.memory_space<vmem>>
        %dma_wait3A_115 = arith.constant 0 : i32
        %dma_wait3A_116 = arith.constant 0 : i32
        %dma_wait3A_117 = tpu.memref_slice %arg13[%dma_wait3A_115, %dma_wait3A_116] : memref<10240x128xf32, #tpu.memory_space<vmem_shared>> -> memref<10240x128xf32, #tpu.memory_space<vmem_shared>>
        tpu.wait_indirect_dma semaphore(%run_scoped3A_105 : memref<!tpu.dma_semaphore, #tpu.memory_space<semaphore_mem>>) src(%arg12 : memref<128x128xf32, #tpu.memory_space<vmem>>) dst(%dma_wait3A_117 : memref<10240x128xf32, #tpu.memory_space<vmem_shared>>)
        tpu.yield
      }) : () -> ()
      %add3A_98 = arith.constant 2 : i32
      %add3A_99 = arith.addi %add3A_82, %add3A_98 : i32
      %lt3A_100 = arith.constant 160 : i32
      %lt3A_101 = arith.cmpi slt, %add3A_99, %lt3A_100 : i32
      %convert_element_type3A_102 = arith.extui %lt3A_101 : i1 to i32
      %cond3A_103 = arith.constant 0 : i32
      %cond3A_104 = arith.cmpi ne, %convert_element_type3A_102, %cond3A_103 : i32
      scf.if %cond3A_104 {
        %add3A_105 = arith.constant 2 : i32
        %add3A_106 = arith.addi %add3A_82, %add3A_105 : i32
        %add3A_107 = arith.addi %add3A, %add3A_106 : i32
        %dma_start3A_108 = arith.constant 0 : i32
        %dma_start3A_109 = tpu.memref_slice %arg3[%add3A_107, %dma_start3A_108] : memref<5120x128xi32, #tpu.memory_space<hbm>> -> memref<1x128xi32, #tpu.memory_space<hbm>>
        %dma_start3A_110 = arith.constant 0 : i32
        %dma_start3A_111 = tpu.memref_slice %arg3[%add3A_107, %dma_start3A_110] : memref<5120x128xi32, #tpu.memory_space<hbm>> -> memref<1x128xi32, #tpu.memory_space<hbm>>
        tpu.enqueue_dma source(%dma_start3A_111 : memref<1x128xi32, #tpu.memory_space<hbm>>) target(%arg8 : memref<1x128xi32, #tpu.memory_space<vmem>>) target_semaphore(%arg15 : memref<!tpu.dma_semaphore, #tpu.memory_space<semaphore_mem>>)
        %add3A_112 = arith.addi %mul3A_4, %add3A_106 : i32
        %dma_start3A_113 = arith.constant 0 : i32
        %dma_start3A_114 = tpu.memref_slice %arg4[%add3A_112, %dma_start3A_113] : memref<2560x128xi32, #tpu.memory_space<hbm>> -> memref<1x128xi32, #tpu.memory_space<hbm>>
        %dma_start3A_115 = arith.constant 0 : i32
        %dma_start3A_116 = tpu.memref_slice %arg4[%add3A_112, %dma_start3A_115] : memref<2560x128xi32, #tpu.memory_space<hbm>> -> memref<1x128xi32, #tpu.memory_space<hbm>>
        tpu.enqueue_dma source(%dma_start3A_116 : memref<1x128xi32, #tpu.memory_space<hbm>>) target(%arg10 : memref<1x128xi32, #tpu.memory_space<vmem>>) target_semaphore(%arg15 : memref<!tpu.dma_semaphore, #tpu.memory_space<semaphore_mem>>)
      } else {
      }
    }
    %scan3A_52 = arith.constant 80 : i32
    %barrier3A_53 = arith.constant 0 : index
    tpu.barrier barrier_id(%barrier3A_53)
    %mul3A_54 = arith.constant 640 : i32
    %mul3A_55 = arith.muli %arg1, %mul3A_54 : i32
    %mul3A_56 = arith.constant 640 : i32
    %mul3A_57 = arith.muli %arg1, %mul3A_56 : i32
    "tpu.region"() ({
      %run_scoped3A = tpu.sem_alloc : memref<!tpu.dma_semaphore, #tpu.memory_space<semaphore_mem>>
      %dma_start3A_58 = arith.constant 0 : i32
      %dma_start3A_59 = tpu.memref_slice %arg6[%arg0, %mul3A_57, %dma_start3A_58] : memref<2x10240x128xf32, #tpu.memory_space<hbm>> -> memref<1x640x128xf32, #tpu.memory_space<hbm>>
      %dma_start3A_60 = tpu.memref_squeeze %dma_start3A_59 : memref<1x640x128xf32, #tpu.memory_space<hbm>> -> memref<640x128xf32, #tpu.memory_space<hbm>>
      %dma_start3A_61 = arith.constant 0 : i32
      %dma_start3A_62 = tpu.memref_slice %arg13[%mul3A_55, %dma_start3A_61] : memref<10240x128xf32, #tpu.memory_space<vmem_shared>> -> memref<640x128xf32, #tpu.memory_space<vmem_shared>>
      tpu.enqueue_dma source(%dma_start3A_62 : memref<640x128xf32, #tpu.memory_space<vmem_shared>>) target(%dma_start3A_60 : memref<640x128xf32, #tpu.memory_space<hbm>>) target_semaphore(%run_scoped3A : memref<!tpu.dma_semaphore, #tpu.memory_space<semaphore_mem>>)
      %dma_wait3A_63 = arith.constant 0 : i32
      %dma_wait3A_64 = tpu.memref_slice %arg6[%arg0, %mul3A_57, %dma_wait3A_63] : memref<2x10240x128xf32, #tpu.memory_space<hbm>> -> memref<1x640x128xf32, #tpu.memory_space<hbm>>
      %dma_wait3A_65 = tpu.memref_squeeze %dma_wait3A_64 : memref<1x640x128xf32, #tpu.memory_space<hbm>> -> memref<640x128xf32, #tpu.memory_space<hbm>>
      %dma_wait3A_66 = arith.constant 0 : i32
      %dma_wait3A_67 = tpu.memref_slice %arg13[%mul3A_55, %dma_wait3A_66] : memref<10240x128xf32, #tpu.memory_space<vmem_shared>> -> memref<640x128xf32, #tpu.memory_space<vmem_shared>>
      tpu.wait_dma2 semaphore(%run_scoped3A : memref<!tpu.dma_semaphore, #tpu.memory_space<semaphore_mem>>) src(%dma_wait3A_67 : memref<640x128xf32, #tpu.memory_space<vmem_shared>>) dst(%dma_wait3A_65 : memref<640x128xf32, #tpu.memory_space<hbm>>)
      tpu.yield
    }) : () -> ()
    return
  }
}

module attributes {stable_mosaic.version = 14 : i64} {
  func.func @body(%arg0: i32, %arg1: memref<80x128xf32, #tpu.memory_space<vmem>>, %arg2: memref<1x80x128xf32, #tpu.memory_space<vmem>>, %arg3: memref<1x80x128xf32, #tpu.memory_space<vmem>>, %arg4: memref<128x256xf32, #tpu.memory_space<vmem>>, %arg5: memref<1x256xf32, #tpu.memory_space<vmem>>, %arg6: memref<1x1x80xi32, #tpu.memory_space<vmem>>, %arg7: memref<1x64xf32, #tpu.memory_space<vmem>>, %arg8: memref<2x80x128xf32, #tpu.memory_space<vmem>>, %arg9: memref<512x256xf32, #tpu.memory_space<vmem>>) attributes {dimension_semantics = [#tpu.dimension_semantics<arbitrary>], iteration_bounds = array<i64: 125>, scalar_prefetch = 0 : i64, scratch_operands = 0 : i64, tpu.core_type = #tpu.core_type<tc>, window_params = [{transform_indices = @transform_0, window_bounds = array<i64: 80, 128>}, {transform_indices = @transform_1, window_bounds = array<i64: 1, 80, 128>}, {transform_indices = @transform_2, window_bounds = array<i64: 1, 80, 128>}, {pipeline_mode = #tpu.pipeline_mode<synchronous>, transform_indices = @transform_3, window_bounds = array<i64: 128, 256>}, {pipeline_mode = #tpu.pipeline_mode<synchronous>, transform_indices = @transform_4, window_bounds = array<i64: 1, 256>}, {transform_indices = @transform_5, window_bounds = array<i64: 1, 1, 80>}, {pipeline_mode = #tpu.pipeline_mode<synchronous>, transform_indices = @transform_6, window_bounds = array<i64: 1, 64>}, {transform_indices = @transform_7, window_bounds = array<i64: 2, 80, 128>}, {pipeline_mode = #tpu.pipeline_mode<synchronous>, transform_indices = @transform_8, window_bounds = array<i64: 512, 256>}]} {
    %get3A = arith.constant 0 : index
    %get3A_0 = arith.constant 0 : index
    %get3A_1 = vector.load %arg1[%get3A, %get3A_0] : memref<80x128xf32, #tpu.memory_space<vmem>>, vector<80x128xf32>
    %get3A_2 = arith.constant 0 : index
    %get3A_3 = arith.constant 0 : index
    %get3A_4 = arith.constant 0 : index
    %get3A_5 = vector.load %arg2[%get3A_2, %get3A_3, %get3A_4] : memref<1x80x128xf32, #tpu.memory_space<vmem>>, vector<1x80x128xf32>
    %get3A_6 = vector.shape_cast %get3A_5 : vector<1x80x128xf32> to vector<80x128xf32>
    %add3A = arith.addf %get3A_1, %get3A_6 : vector<80x128xf32>
    %get3A_7 = arith.constant 0 : index
    %get3A_8 = arith.constant 0 : index
    %get3A_9 = arith.constant 0 : index
    %get3A_10 = vector.load %arg3[%get3A_7, %get3A_8, %get3A_9] : memref<1x80x128xf32, #tpu.memory_space<vmem>>, vector<1x80x128xf32>
    %get3A_11 = vector.shape_cast %get3A_10 : vector<1x80x128xf32> to vector<80x128xf32>
    %add3A_12 = arith.addf %add3A, %get3A_11 : vector<80x128xf32>
    %get3A_13 = arith.constant 0 : index
    %get3A_14 = arith.constant 0 : index
    %get3A_15 = vector.load %arg4[%get3A_13, %get3A_14] : memref<128x256xf32, #tpu.memory_space<vmem>>, vector<128x256xf32>
    %dot_general3A = arith.constant dense<0.000000e+00> : vector<80x256xf32>
    %dot_general3A_16 = tpu.matmul %add3A_12, %get3A_15, %dot_general3A {dimension_numbers = #tpu.dot_dimension_numbers<[1], [0], [0], [1], [0, 0, 1, 1], [], []>, transpose_lhs_hint = false} : vector<80x128xf32>, vector<128x256xf32>, vector<80x256xf32> -> vector<80x256xf32>
    %get3A_17 = arith.constant 0 : index
    %get3A_18 = arith.constant 0 : index
    %get3A_19 = vector.load %arg5[%get3A_17, %get3A_18] : memref<1x256xf32, #tpu.memory_space<vmem>>, vector<1x256xf32>
    %add3A_20 = vector.broadcast %get3A_19 : vector<1x256xf32> to vector<80x256xf32>
    %add3A_21 = arith.addf %dot_general3A_16, %add3A_20 : vector<80x256xf32>
    %max3A = arith.constant 0.000000e+00 : f32
    %max3A_22 = vector.broadcast %max3A : f32 to vector<80x256xf32>
    %max3A_23 = arith.maximumf %add3A_21, %max3A_22 : vector<80x256xf32>
    %slice3A = vector.extract_strided_slice %max3A_23 {offsets = [0, 0], sizes = [80, 128], strides = [1, 1]} : vector<80x256xf32> to vector<80x128xf32>
    %swap3A = arith.constant 0 : index
    %swap3A_24 = arith.constant 0 : index
    %swap3A_25 = arith.constant 0 : index
    %swap3A_26 = vector.load %arg8[%swap3A, %swap3A_24, %swap3A_25] : memref<2x80x128xf32, #tpu.memory_space<vmem>>, vector<1x80x128xf32>
    %swap3A_27 = vector.shape_cast %swap3A_26 : vector<1x80x128xf32> to vector<80x128xf32>
    %swap3A_28 = vector.shape_cast %slice3A : vector<80x128xf32> to vector<1x80x128xf32>
    tpu.vector_store %arg8[%swap3A, %swap3A_24, %swap3A_25], %swap3A_28 {strides = array<i32>} : memref<2x80x128xf32, #tpu.memory_space<vmem>>, vector<1x80x128xf32>,
    %slice3A_29 = vector.extract_strided_slice %max3A_23 {offsets = [0, 128], sizes = [80, 128], strides = [1, 1]} : vector<80x256xf32> to vector<80x128xf32>
    %swap3A_30 = arith.constant 1 : index
    %swap3A_31 = arith.constant 0 : index
    %swap3A_32 = arith.constant 0 : index
    %swap3A_33 = vector.load %arg8[%swap3A_30, %swap3A_31, %swap3A_32] : memref<2x80x128xf32, #tpu.memory_space<vmem>>, vector<1x80x128xf32>
    %swap3A_34 = vector.shape_cast %swap3A_33 : vector<1x80x128xf32> to vector<80x128xf32>
    %swap3A_35 = vector.shape_cast %slice3A_29 : vector<80x128xf32> to vector<1x80x128xf32>
    tpu.vector_store %arg8[%swap3A_30, %swap3A_31, %swap3A_32], %swap3A_35 {strides = array<i32>} : memref<2x80x128xf32, #tpu.memory_space<vmem>>, vector<1x80x128xf32>,
    %get3A_36 = arith.constant 0 : index
    %get3A_37 = arith.constant 0 : index
    %get3A_38 = arith.constant 0 : index
    %get3A_39 = vector.load %arg6[%get3A_36, %get3A_37, %get3A_38] : memref<1x1x80xi32, #tpu.memory_space<vmem>>, vector<1x1x80xi32>
    %get3A_40 = vector.shape_cast %get3A_39 : vector<1x1x80xi32> to vector<80xi32>
    %iota3A = tpu.iota {dimensions = array<i32: 0>} : vector<512x80xi32>
    %broadcast_in_dim3A = vector.shape_cast %get3A_40 : vector<80xi32> to vector<1x80xi32>
    %eq3A = vector.broadcast %broadcast_in_dim3A : vector<1x80xi32> to vector<512x80xi32>
    %eq3A_41 = arith.cmpi eq, %iota3A, %eq3A : vector<512x80xi32>
    %convert_element_type3A = arith.extui %eq3A_41 : vector<512x80xi1> to vector<512x80xi32>
    %convert_element_type3A_42 = arith.sitofp %convert_element_type3A : vector<512x80xi32> to vector<512x80xf32>
    %eq3A_43 = arith.constant 0 : i32
    %eq3A_44 = arith.cmpi eq, %arg0, %eq3A_43 : i32
    %convert_element_type3A_45 = arith.extui %eq3A_44 : i1 to i32
    %cond3A = arith.constant 0 : i32
    %cond3A_46 = arith.cmpi ne, %convert_element_type3A_45, %cond3A : i32
    scf.if %cond3A_46 {
      %get3A_56 = arith.constant 0 : index
      %get3A_57 = arith.constant 0 : index
      %get3A_58 = vector.load %arg7[%get3A_56, %get3A_57] : memref<1x64xf32, #tpu.memory_space<vmem>>, vector<1x64xf32>
      %broadcast_in_dim3A_59 = vector.shape_cast %get3A_58 : vector<1x64xf32> to vector<1x64xf32>
      %broadcast_in_dim3A_60 = vector.broadcast %broadcast_in_dim3A_59 : vector<1x64xf32> to vector<512x64xf32>
      %broadcast_in_dim3A_61 = arith.constant 0.000000e+00 : f32
      %broadcast_in_dim3A_62 = vector.broadcast %broadcast_in_dim3A_61 : f32 to vector<512x192xf32>
      %concatenate3A = tpu.concatenate %broadcast_in_dim3A_60, %broadcast_in_dim3A_62 in 1 : vector<512x64xf32>, vector<512x192xf32> -> vector<512x256xf32>
      %swap3A_63 = arith.constant 0 : index
      %swap3A_64 = arith.constant 0 : index
      %swap3A_65 = vector.load %arg9[%swap3A_63, %swap3A_64] : memref<512x256xf32, #tpu.memory_space<vmem>>, vector<512x256xf32>
      tpu.vector_store %arg9[%swap3A_63, %swap3A_64], %concatenate3A {strides = array<i32>} : memref<512x256xf32, #tpu.memory_space<vmem>>, vector<512x256xf32>,
    } else {
    }
    %get3A_47 = arith.constant 0 : index
    %get3A_48 = arith.constant 0 : index
    %get3A_49 = vector.load %arg9[%get3A_47, %get3A_48] : memref<512x256xf32, #tpu.memory_space<vmem>>, vector<512x256xf32>
    %dot_general3A_50 = arith.constant dense<0.000000e+00> : vector<512x256xf32>
    %dot_general3A_51 = tpu.matmul %convert_element_type3A_42, %max3A_23, %dot_general3A_50 {dimension_numbers = #tpu.dot_dimension_numbers<[1], [0], [0], [1], [0, 0, 1, 1], [], []>, transpose_lhs_hint = false} : vector<512x80xf32>, vector<80x256xf32>, vector<512x256xf32> -> vector<512x256xf32>
    %add3A_52 = arith.addf %get3A_49, %dot_general3A_51 : vector<512x256xf32>
    %swap3A_53 = arith.constant 0 : index
    %swap3A_54 = arith.constant 0 : index
    %swap3A_55 = vector.load %arg9[%swap3A_53, %swap3A_54] : memref<512x256xf32, #tpu.memory_space<vmem>>, vector<512x256xf32>
    tpu.vector_store %arg9[%swap3A_53, %swap3A_54], %add3A_52 {strides = array<i32>} : memref<512x256xf32, #tpu.memory_space<vmem>>, vector<512x256xf32>,
    return
  }
  func.func @transform_0(%arg0: i32) -> (i32, i32) {
    %c0_i32 = arith.constant 0 : i32
    %c0_i32_0 = arith.constant 0 : i32
    return %arg0, %c0_i32 : i32, i32
  }
  func.func @transform_1(%arg0: i32) -> (i32, i32, i32) {
    %c0_i32 = arith.constant 0 : i32
    %c0_i32_0 = arith.constant 0 : i32
    %c0_i32_1 = arith.constant 0 : i32
    return %c0_i32, %arg0, %c0_i32_0 : i32, i32, i32
  }
  func.func @transform_2(%arg0: i32) -> (i32, i32, i32) {
    %c1_i32 = arith.constant 1 : i32
    %c0_i32 = arith.constant 0 : i32
    %c0_i32_0 = arith.constant 0 : i32
    return %c1_i32, %arg0, %c0_i32 : i32, i32, i32
  }
  func.func @transform_3(%arg0: i32) -> (i32, i32) {
    %c0_i32 = arith.constant 0 : i32
    %c0_i32_0 = arith.constant 0 : i32
    %c0_i32_1 = arith.constant 0 : i32
    return %c0_i32, %c0_i32_0 : i32, i32
  }
  func.func @transform_4(%arg0: i32) -> (i32, i32) {
    %c0_i32 = arith.constant 0 : i32
    %c0_i32_0 = arith.constant 0 : i32
    %c0_i32_1 = arith.constant 0 : i32
    return %c0_i32, %c0_i32_0 : i32, i32
  }
  func.func @transform_5(%arg0: i32) -> (i32, i32, i32) {
    %c0_i32 = arith.constant 0 : i32
    %c0_i32_0 = arith.constant 0 : i32
    %c0_i32_1 = arith.constant 0 : i32
    return %arg0, %c0_i32, %c0_i32_0 : i32, i32, i32
  }
  func.func @transform_6(%arg0: i32) -> (i32, i32) {
    %c0_i32 = arith.constant 0 : i32
    %c0_i32_0 = arith.constant 0 : i32
    %c0_i32_1 = arith.constant 0 : i32
    return %c0_i32, %c0_i32_0 : i32, i32
  }
  func.func @transform_7(%arg0: i32) -> (i32, i32, i32) {
    %c0_i32 = arith.constant 0 : i32
    %c0_i32_0 = arith.constant 0 : i32
    %c0_i32_1 = arith.constant 0 : i32
    return %c0_i32, %arg0, %c0_i32_0 : i32, i32, i32
  }
  func.func @transform_8(%arg0: i32) -> (i32, i32) {
    %c0_i32 = arith.constant 0 : i32
    %c0_i32_0 = arith.constant 0 : i32
    %c0_i32_1 = arith.constant 0 : i32
    return %c0_i32, %c0_i32_0 : i32, i32
  }
}

module attributes {stable_mosaic.version = 14 : i64} {
  func.func @body(%arg0: i32, %arg1: memref<1x80x128xf32, #tpu.memory_space<vmem>>, %arg2: memref<1x80x128xf32, #tpu.memory_space<vmem>>, %arg3: memref<1x80x128xf32, #tpu.memory_space<vmem>>, %arg4: memref<1x80x128xf32, #tpu.memory_space<vmem>>, %arg5: memref<256x256xf32, #tpu.memory_space<vmem>>, %arg6: memref<1x256xf32, #tpu.memory_space<vmem>>, %arg7: memref<1x1x80xi32, #tpu.memory_space<vmem>>, %arg8: memref<1x64xf32, #tpu.memory_space<vmem>>, %arg9: memref<2x80x128xf32, #tpu.memory_space<vmem>>, %arg10: memref<512x256xf32, #tpu.memory_space<vmem>>) attributes {dimension_semantics = [#tpu.dimension_semantics<arbitrary>], iteration_bounds = array<i64: 125>, scalar_prefetch = 0 : i64, scratch_operands = 0 : i64, tpu.core_type = #tpu.core_type<tc>, window_params = [{transform_indices = @transform_0, window_bounds = array<i64: 1, 80, 128>}, {transform_indices = @transform_1, window_bounds = array<i64: 1, 80, 128>}, {transform_indices = @transform_2, window_bounds = array<i64: 1, 80, 128>}, {transform_indices = @transform_3, window_bounds = array<i64: 1, 80, 128>}, {pipeline_mode = #tpu.pipeline_mode<synchronous>, transform_indices = @transform_4, window_bounds = array<i64: 256, 256>}, {pipeline_mode = #tpu.pipeline_mode<synchronous>, transform_indices = @transform_5, window_bounds = array<i64: 1, 256>}, {transform_indices = @transform_6, window_bounds = array<i64: 1, 1, 80>}, {pipeline_mode = #tpu.pipeline_mode<synchronous>, transform_indices = @transform_7, window_bounds = array<i64: 1, 64>}, {transform_indices = @transform_8, window_bounds = array<i64: 2, 80, 128>}, {pipeline_mode = #tpu.pipeline_mode<synchronous>, transform_indices = @transform_9, window_bounds = array<i64: 512, 256>}]} {
    %get3A = arith.constant 0 : index
    %get3A_0 = arith.constant 0 : index
    %get3A_1 = arith.constant 0 : index
    %get3A_2 = vector.load %arg1[%get3A, %get3A_0, %get3A_1] : memref<1x80x128xf32, #tpu.memory_space<vmem>>, vector<1x80x128xf32>
    %get3A_3 = vector.shape_cast %get3A_2 : vector<1x80x128xf32> to vector<80x128xf32>
    %get3A_4 = arith.constant 0 : index
    %get3A_5 = arith.constant 0 : index
    %get3A_6 = arith.constant 0 : index
    %get3A_7 = vector.load %arg2[%get3A_4, %get3A_5, %get3A_6] : memref<1x80x128xf32, #tpu.memory_space<vmem>>, vector<1x80x128xf32>
    %get3A_8 = vector.shape_cast %get3A_7 : vector<1x80x128xf32> to vector<80x128xf32>
    %concatenate3A = tpu.concatenate %get3A_3, %get3A_8 in 1 : vector<80x128xf32>, vector<80x128xf32> -> vector<80x256xf32>
    %get3A_9 = arith.constant 0 : index
    %get3A_10 = arith.constant 0 : index
    %get3A_11 = arith.constant 0 : index
    %get3A_12 = vector.load %arg3[%get3A_9, %get3A_10, %get3A_11] : memref<1x80x128xf32, #tpu.memory_space<vmem>>, vector<1x80x128xf32>
    %get3A_13 = vector.shape_cast %get3A_12 : vector<1x80x128xf32> to vector<80x128xf32>
    %get3A_14 = arith.constant 0 : index
    %get3A_15 = arith.constant 0 : index
    %get3A_16 = arith.constant 0 : index
    %get3A_17 = vector.load %arg4[%get3A_14, %get3A_15, %get3A_16] : memref<1x80x128xf32, #tpu.memory_space<vmem>>, vector<1x80x128xf32>
    %get3A_18 = vector.shape_cast %get3A_17 : vector<1x80x128xf32> to vector<80x128xf32>
    %concatenate3A_19 = tpu.concatenate %get3A_13, %get3A_18 in 1 : vector<80x128xf32>, vector<80x128xf32> -> vector<80x256xf32>
    %add3A = arith.addf %concatenate3A, %concatenate3A_19 : vector<80x256xf32>
    %get3A_20 = arith.constant 0 : index
    %get3A_21 = arith.constant 0 : index
    %get3A_22 = vector.load %arg5[%get3A_20, %get3A_21] : memref<256x256xf32, #tpu.memory_space<vmem>>, vector<256x256xf32>
    %dot_general3A = arith.constant dense<0.000000e+00> : vector<80x256xf32>
    %dot_general3A_23 = tpu.matmul %add3A, %get3A_22, %dot_general3A {dimension_numbers = #tpu.dot_dimension_numbers<[1], [0], [0], [1], [0, 0, 1, 1], [], []>, transpose_lhs_hint = false} : vector<80x256xf32>, vector<256x256xf32>, vector<80x256xf32> -> vector<80x256xf32>
    %get3A_24 = arith.constant 0 : index
    %get3A_25 = arith.constant 0 : index
    %get3A_26 = vector.load %arg6[%get3A_24, %get3A_25] : memref<1x256xf32, #tpu.memory_space<vmem>>, vector<1x256xf32>
    %add3A_27 = vector.broadcast %get3A_26 : vector<1x256xf32> to vector<80x256xf32>
    %add3A_28 = arith.addf %dot_general3A_23, %add3A_27 : vector<80x256xf32>
    %max3A = arith.constant 0.000000e+00 : f32
    %max3A_29 = vector.broadcast %max3A : f32 to vector<80x256xf32>
    %max3A_30 = arith.maximumf %add3A_28, %max3A_29 : vector<80x256xf32>
    %slice3A = vector.extract_strided_slice %max3A_30 {offsets = [0, 0], sizes = [80, 128], strides = [1, 1]} : vector<80x256xf32> to vector<80x128xf32>
    %swap3A = arith.constant 0 : index
    %swap3A_31 = arith.constant 0 : index
    %swap3A_32 = arith.constant 0 : index
    %swap3A_33 = vector.load %arg9[%swap3A, %swap3A_31, %swap3A_32] : memref<2x80x128xf32, #tpu.memory_space<vmem>>, vector<1x80x128xf32>
    %swap3A_34 = vector.shape_cast %swap3A_33 : vector<1x80x128xf32> to vector<80x128xf32>
    %swap3A_35 = vector.shape_cast %slice3A : vector<80x128xf32> to vector<1x80x128xf32>
    tpu.vector_store %arg9[%swap3A, %swap3A_31, %swap3A_32], %swap3A_35 {strides = array<i32>} : memref<2x80x128xf32, #tpu.memory_space<vmem>>, vector<1x80x128xf32>,
    %slice3A_36 = vector.extract_strided_slice %max3A_30 {offsets = [0, 128], sizes = [80, 128], strides = [1, 1]} : vector<80x256xf32> to vector<80x128xf32>
    %swap3A_37 = arith.constant 1 : index
    %swap3A_38 = arith.constant 0 : index
    %swap3A_39 = arith.constant 0 : index
    %swap3A_40 = vector.load %arg9[%swap3A_37, %swap3A_38, %swap3A_39] : memref<2x80x128xf32, #tpu.memory_space<vmem>>, vector<1x80x128xf32>
    %swap3A_41 = vector.shape_cast %swap3A_40 : vector<1x80x128xf32> to vector<80x128xf32>
    %swap3A_42 = vector.shape_cast %slice3A_36 : vector<80x128xf32> to vector<1x80x128xf32>
    tpu.vector_store %arg9[%swap3A_37, %swap3A_38, %swap3A_39], %swap3A_42 {strides = array<i32>} : memref<2x80x128xf32, #tpu.memory_space<vmem>>, vector<1x80x128xf32>,
    %get3A_43 = arith.constant 0 : index
    %get3A_44 = arith.constant 0 : index
    %get3A_45 = arith.constant 0 : index
    %get3A_46 = vector.load %arg7[%get3A_43, %get3A_44, %get3A_45] : memref<1x1x80xi32, #tpu.memory_space<vmem>>, vector<1x1x80xi32>
    %get3A_47 = vector.shape_cast %get3A_46 : vector<1x1x80xi32> to vector<80xi32>
    %iota3A = tpu.iota {dimensions = array<i32: 0>} : vector<512x80xi32>
    %broadcast_in_dim3A = vector.shape_cast %get3A_47 : vector<80xi32> to vector<1x80xi32>
    %eq3A = vector.broadcast %broadcast_in_dim3A : vector<1x80xi32> to vector<512x80xi32>
    %eq3A_48 = arith.cmpi eq, %iota3A, %eq3A : vector<512x80xi32>
    %convert_element_type3A = arith.extui %eq3A_48 : vector<512x80xi1> to vector<512x80xi32>
    %convert_element_type3A_49 = arith.sitofp %convert_element_type3A : vector<512x80xi32> to vector<512x80xf32>
    %eq3A_50 = arith.constant 0 : i32
    %eq3A_51 = arith.cmpi eq, %arg0, %eq3A_50 : i32
    %convert_element_type3A_52 = arith.extui %eq3A_51 : i1 to i32
    %cond3A = arith.constant 0 : i32
    %cond3A_53 = arith.cmpi ne, %convert_element_type3A_52, %cond3A : i32
    scf.if %cond3A_53 {
      %get3A_63 = arith.constant 0 : index
      %get3A_64 = arith.constant 0 : index
      %get3A_65 = vector.load %arg8[%get3A_63, %get3A_64] : memref<1x64xf32, #tpu.memory_space<vmem>>, vector<1x64xf32>
      %broadcast_in_dim3A_66 = vector.shape_cast %get3A_65 : vector<1x64xf32> to vector<1x64xf32>
      %broadcast_in_dim3A_67 = vector.broadcast %broadcast_in_dim3A_66 : vector<1x64xf32> to vector<512x64xf32>
      %broadcast_in_dim3A_68 = arith.constant 0.000000e+00 : f32
      %broadcast_in_dim3A_69 = vector.broadcast %broadcast_in_dim3A_68 : f32 to vector<512x192xf32>
      %concatenate3A_70 = tpu.concatenate %broadcast_in_dim3A_67, %broadcast_in_dim3A_69 in 1 : vector<512x64xf32>, vector<512x192xf32> -> vector<512x256xf32>
      %swap3A_71 = arith.constant 0 : index
      %swap3A_72 = arith.constant 0 : index
      %swap3A_73 = vector.load %arg10[%swap3A_71, %swap3A_72] : memref<512x256xf32, #tpu.memory_space<vmem>>, vector<512x256xf32>
      tpu.vector_store %arg10[%swap3A_71, %swap3A_72], %concatenate3A_70 {strides = array<i32>} : memref<512x256xf32, #tpu.memory_space<vmem>>, vector<512x256xf32>,
    } else {
    }
    %get3A_54 = arith.constant 0 : index
    %get3A_55 = arith.constant 0 : index
    %get3A_56 = vector.load %arg10[%get3A_54, %get3A_55] : memref<512x256xf32, #tpu.memory_space<vmem>>, vector<512x256xf32>
    %dot_general3A_57 = arith.constant dense<0.000000e+00> : vector<512x256xf32>
    %dot_general3A_58 = tpu.matmul %convert_element_type3A_49, %max3A_30, %dot_general3A_57 {dimension_numbers = #tpu.dot_dimension_numbers<[1], [0], [0], [1], [0, 0, 1, 1], [], []>, transpose_lhs_hint = false} : vector<512x80xf32>, vector<80x256xf32>, vector<512x256xf32> -> vector<512x256xf32>
    %add3A_59 = arith.addf %get3A_56, %dot_general3A_58 : vector<512x256xf32>
    %swap3A_60 = arith.constant 0 : index
    %swap3A_61 = arith.constant 0 : index
    %swap3A_62 = vector.load %arg10[%swap3A_60, %swap3A_61] : memref<512x256xf32, #tpu.memory_space<vmem>>, vector<512x256xf32>
    tpu.vector_store %arg10[%swap3A_60, %swap3A_61], %add3A_59 {strides = array<i32>} : memref<512x256xf32, #tpu.memory_space<vmem>>, vector<512x256xf32>,
    return
  }
  func.func @transform_0(%arg0: i32) -> (i32, i32, i32) {
    %c0_i32 = arith.constant 0 : i32
    %c0_i32_0 = arith.constant 0 : i32
    %c0_i32_1 = arith.constant 0 : i32
    return %c0_i32, %arg0, %c0_i32_0 : i32, i32, i32
  }
  func.func @transform_1(%arg0: i32) -> (i32, i32, i32) {
    %c1_i32 = arith.constant 1 : i32
    %c0_i32 = arith.constant 0 : i32
    %c0_i32_0 = arith.constant 0 : i32
    return %c1_i32, %arg0, %c0_i32 : i32, i32, i32
  }
  func.func @transform_2(%arg0: i32) -> (i32, i32, i32) {
    %c0_i32 = arith.constant 0 : i32
    %c0_i32_0 = arith.constant 0 : i32
    %c0_i32_1 = arith.constant 0 : i32
    return %c0_i32, %arg0, %c0_i32_0 : i32, i32, i32
  }
  func.func @transform_3(%arg0: i32) -> (i32, i32, i32) {
    %c1_i32 = arith.constant 1 : i32
    %c0_i32 = arith.constant 0 : i32
    %c0_i32_0 = arith.constant 0 : i32
    return %c1_i32, %arg0, %c0_i32 : i32, i32, i32
  }
  func.func @transform_4(%arg0: i32) -> (i32, i32) {
    %c0_i32 = arith.constant 0 : i32
    %c0_i32_0 = arith.constant 0 : i32
    %c0_i32_1 = arith.constant 0 : i32
    return %c0_i32, %c0_i32_0 : i32, i32
  }
  func.func @transform_5(%arg0: i32) -> (i32, i32) {
    %c0_i32 = arith.constant 0 : i32
    %c0_i32_0 = arith.constant 0 : i32
    %c0_i32_1 = arith.constant 0 : i32
    return %c0_i32, %c0_i32_0 : i32, i32
  }
  func.func @transform_6(%arg0: i32) -> (i32, i32, i32) {
    %c0_i32 = arith.constant 0 : i32
    %c0_i32_0 = arith.constant 0 : i32
    %c0_i32_1 = arith.constant 0 : i32
    return %arg0, %c0_i32, %c0_i32_0 : i32, i32, i32
  }
  func.func @transform_7(%arg0: i32) -> (i32, i32) {
    %c0_i32 = arith.constant 0 : i32
    %c0_i32_0 = arith.constant 0 : i32
    %c0_i32_1 = arith.constant 0 : i32
    return %c0_i32, %c0_i32_0 : i32, i32
  }
  func.func @transform_8(%arg0: i32) -> (i32, i32, i32) {
    %c0_i32 = arith.constant 0 : i32
    %c0_i32_0 = arith.constant 0 : i32
    %c0_i32_1 = arith.constant 0 : i32
    return %c0_i32, %arg0, %c0_i32_0 : i32, i32, i32
  }
  func.func @transform_9(%arg0: i32) -> (i32, i32) {
    %c0_i32 = arith.constant 0 : i32
    %c0_i32_0 = arith.constant 0 : i32
    %c0_i32_1 = arith.constant 0 : i32
    return %c0_i32, %c0_i32_0 : i32, i32
  }
}

module attributes {stable_mosaic.version = 14 : i64} {
  func.func @body(%arg0: i32, %arg1: memref<1x80x128xf32, #tpu.memory_space<vmem>>, %arg2: memref<1x80x128xf32, #tpu.memory_space<vmem>>, %arg3: memref<1x80x128xf32, #tpu.memory_space<vmem>>, %arg4: memref<1x80x128xf32, #tpu.memory_space<vmem>>, %arg5: memref<256x256xf32, #tpu.memory_space<vmem>>, %arg6: memref<1x256xf32, #tpu.memory_space<vmem>>, %arg7: memref<1x1x80xi32, #tpu.memory_space<vmem>>, %arg8: memref<1x64xf32, #tpu.memory_space<vmem>>, %arg9: memref<512x256xf32, #tpu.memory_space<vmem>>) attributes {dimension_semantics = [#tpu.dimension_semantics<arbitrary>], iteration_bounds = array<i64: 125>, scalar_prefetch = 0 : i64, scratch_operands = 0 : i64, tpu.core_type = #tpu.core_type<tc>, window_params = [{transform_indices = @transform_0, window_bounds = array<i64: 1, 80, 128>}, {transform_indices = @transform_1, window_bounds = array<i64: 1, 80, 128>}, {transform_indices = @transform_2, window_bounds = array<i64: 1, 80, 128>}, {transform_indices = @transform_3, window_bounds = array<i64: 1, 80, 128>}, {pipeline_mode = #tpu.pipeline_mode<synchronous>, transform_indices = @transform_4, window_bounds = array<i64: 256, 256>}, {pipeline_mode = #tpu.pipeline_mode<synchronous>, transform_indices = @transform_5, window_bounds = array<i64: 1, 256>}, {transform_indices = @transform_6, window_bounds = array<i64: 1, 1, 80>}, {pipeline_mode = #tpu.pipeline_mode<synchronous>, transform_indices = @transform_7, window_bounds = array<i64: 1, 64>}, {pipeline_mode = #tpu.pipeline_mode<synchronous>, transform_indices = @transform_8, window_bounds = array<i64: 512, 256>}]} {
    %get3A = arith.constant 0 : index
    %get3A_0 = arith.constant 0 : index
    %get3A_1 = arith.constant 0 : index
    %get3A_2 = vector.load %arg1[%get3A, %get3A_0, %get3A_1] : memref<1x80x128xf32, #tpu.memory_space<vmem>>, vector<1x80x128xf32>
    %get3A_3 = vector.shape_cast %get3A_2 : vector<1x80x128xf32> to vector<80x128xf32>
    %get3A_4 = arith.constant 0 : index
    %get3A_5 = arith.constant 0 : index
    %get3A_6 = arith.constant 0 : index
    %get3A_7 = vector.load %arg2[%get3A_4, %get3A_5, %get3A_6] : memref<1x80x128xf32, #tpu.memory_space<vmem>>, vector<1x80x128xf32>
    %get3A_8 = vector.shape_cast %get3A_7 : vector<1x80x128xf32> to vector<80x128xf32>
    %concatenate3A = tpu.concatenate %get3A_3, %get3A_8 in 1 : vector<80x128xf32>, vector<80x128xf32> -> vector<80x256xf32>
    %get3A_9 = arith.constant 0 : index
    %get3A_10 = arith.constant 0 : index
    %get3A_11 = arith.constant 0 : index
    %get3A_12 = vector.load %arg3[%get3A_9, %get3A_10, %get3A_11] : memref<1x80x128xf32, #tpu.memory_space<vmem>>, vector<1x80x128xf32>
    %get3A_13 = vector.shape_cast %get3A_12 : vector<1x80x128xf32> to vector<80x128xf32>
    %get3A_14 = arith.constant 0 : index
    %get3A_15 = arith.constant 0 : index
    %get3A_16 = arith.constant 0 : index
    %get3A_17 = vector.load %arg4[%get3A_14, %get3A_15, %get3A_16] : memref<1x80x128xf32, #tpu.memory_space<vmem>>, vector<1x80x128xf32>
    %get3A_18 = vector.shape_cast %get3A_17 : vector<1x80x128xf32> to vector<80x128xf32>
    %concatenate3A_19 = tpu.concatenate %get3A_13, %get3A_18 in 1 : vector<80x128xf32>, vector<80x128xf32> -> vector<80x256xf32>
    %add3A = arith.addf %concatenate3A, %concatenate3A_19 : vector<80x256xf32>
    %get3A_20 = arith.constant 0 : index
    %get3A_21 = arith.constant 0 : index
    %get3A_22 = vector.load %arg5[%get3A_20, %get3A_21] : memref<256x256xf32, #tpu.memory_space<vmem>>, vector<256x256xf32>
    %dot_general3A = arith.constant dense<0.000000e+00> : vector<80x256xf32>
    %dot_general3A_23 = tpu.matmul %add3A, %get3A_22, %dot_general3A {dimension_numbers = #tpu.dot_dimension_numbers<[1], [0], [0], [1], [0, 0, 1, 1], [], []>, transpose_lhs_hint = false} : vector<80x256xf32>, vector<256x256xf32>, vector<80x256xf32> -> vector<80x256xf32>
    %get3A_24 = arith.constant 0 : index
    %get3A_25 = arith.constant 0 : index
    %get3A_26 = vector.load %arg6[%get3A_24, %get3A_25] : memref<1x256xf32, #tpu.memory_space<vmem>>, vector<1x256xf32>
    %add3A_27 = vector.broadcast %get3A_26 : vector<1x256xf32> to vector<80x256xf32>
    %add3A_28 = arith.addf %dot_general3A_23, %add3A_27 : vector<80x256xf32>
    %max3A = arith.constant 0.000000e+00 : f32
    %max3A_29 = vector.broadcast %max3A : f32 to vector<80x256xf32>
    %max3A_30 = arith.maximumf %add3A_28, %max3A_29 : vector<80x256xf32>
    %get3A_31 = arith.constant 0 : index
    %get3A_32 = arith.constant 0 : index
    %get3A_33 = arith.constant 0 : index
    %get3A_34 = vector.load %arg7[%get3A_31, %get3A_32, %get3A_33] : memref<1x1x80xi32, #tpu.memory_space<vmem>>, vector<1x1x80xi32>
    %get3A_35 = vector.shape_cast %get3A_34 : vector<1x1x80xi32> to vector<80xi32>
    %iota3A = tpu.iota {dimensions = array<i32: 0>} : vector<512x80xi32>
    %broadcast_in_dim3A = vector.shape_cast %get3A_35 : vector<80xi32> to vector<1x80xi32>
    %eq3A = vector.broadcast %broadcast_in_dim3A : vector<1x80xi32> to vector<512x80xi32>
    %eq3A_36 = arith.cmpi eq, %iota3A, %eq3A : vector<512x80xi32>
    %convert_element_type3A = arith.extui %eq3A_36 : vector<512x80xi1> to vector<512x80xi32>
    %convert_element_type3A_37 = arith.sitofp %convert_element_type3A : vector<512x80xi32> to vector<512x80xf32>
    %eq3A_38 = arith.constant 0 : i32
    %eq3A_39 = arith.cmpi eq, %arg0, %eq3A_38 : i32
    %convert_element_type3A_40 = arith.extui %eq3A_39 : i1 to i32
    %cond3A = arith.constant 0 : i32
    %cond3A_41 = arith.cmpi ne, %convert_element_type3A_40, %cond3A : i32
    scf.if %cond3A_41 {
      %get3A_50 = arith.constant 0 : index
      %get3A_51 = arith.constant 0 : index
      %get3A_52 = vector.load %arg8[%get3A_50, %get3A_51] : memref<1x64xf32, #tpu.memory_space<vmem>>, vector<1x64xf32>
      %broadcast_in_dim3A_53 = vector.shape_cast %get3A_52 : vector<1x64xf32> to vector<1x64xf32>
      %broadcast_in_dim3A_54 = vector.broadcast %broadcast_in_dim3A_53 : vector<1x64xf32> to vector<512x64xf32>
      %broadcast_in_dim3A_55 = arith.constant 0.000000e+00 : f32
      %broadcast_in_dim3A_56 = vector.broadcast %broadcast_in_dim3A_55 : f32 to vector<512x192xf32>
      %concatenate3A_57 = tpu.concatenate %broadcast_in_dim3A_54, %broadcast_in_dim3A_56 in 1 : vector<512x64xf32>, vector<512x192xf32> -> vector<512x256xf32>
      %swap3A_58 = arith.constant 0 : index
      %swap3A_59 = arith.constant 0 : index
      %swap3A_60 = vector.load %arg9[%swap3A_58, %swap3A_59] : memref<512x256xf32, #tpu.memory_space<vmem>>, vector<512x256xf32>
      tpu.vector_store %arg9[%swap3A_58, %swap3A_59], %concatenate3A_57 {strides = array<i32>} : memref<512x256xf32, #tpu.memory_space<vmem>>, vector<512x256xf32>,
    } else {
    }
    %get3A_42 = arith.constant 0 : index
    %get3A_43 = arith.constant 0 : index
    %get3A_44 = vector.load %arg9[%get3A_42, %get3A_43] : memref<512x256xf32, #tpu.memory_space<vmem>>, vector<512x256xf32>
    %dot_general3A_45 = arith.constant dense<0.000000e+00> : vector<512x256xf32>
    %dot_general3A_46 = tpu.matmul %convert_element_type3A_37, %max3A_30, %dot_general3A_45 {dimension_numbers = #tpu.dot_dimension_numbers<[1], [0], [0], [1], [0, 0, 1, 1], [], []>, transpose_lhs_hint = false} : vector<512x80xf32>, vector<80x256xf32>, vector<512x256xf32> -> vector<512x256xf32>
    %add3A_47 = arith.addf %get3A_44, %dot_general3A_46 : vector<512x256xf32>
    %swap3A = arith.constant 0 : index
    %swap3A_48 = arith.constant 0 : index
    %swap3A_49 = vector.load %arg9[%swap3A, %swap3A_48] : memref<512x256xf32, #tpu.memory_space<vmem>>, vector<512x256xf32>
    tpu.vector_store %arg9[%swap3A, %swap3A_48], %add3A_47 {strides = array<i32>} : memref<512x256xf32, #tpu.memory_space<vmem>>, vector<512x256xf32>,
    return
  }
  func.func @transform_0(%arg0: i32) -> (i32, i32, i32) {
    %c0_i32 = arith.constant 0 : i32
    %c0_i32_0 = arith.constant 0 : i32
    %c0_i32_1 = arith.constant 0 : i32
    return %c0_i32, %arg0, %c0_i32_0 : i32, i32, i32
  }
  func.func @transform_1(%arg0: i32) -> (i32, i32, i32) {
    %c1_i32 = arith.constant 1 : i32
    %c0_i32 = arith.constant 0 : i32
    %c0_i32_0 = arith.constant 0 : i32
    return %c1_i32, %arg0, %c0_i32 : i32, i32, i32
  }
  func.func @transform_2(%arg0: i32) -> (i32, i32, i32) {
    %c0_i32 = arith.constant 0 : i32
    %c0_i32_0 = arith.constant 0 : i32
    %c0_i32_1 = arith.constant 0 : i32
    return %c0_i32, %arg0, %c0_i32_0 : i32, i32, i32
  }
  func.func @transform_3(%arg0: i32) -> (i32, i32, i32) {
    %c1_i32 = arith.constant 1 : i32
    %c0_i32 = arith.constant 0 : i32
    %c0_i32_0 = arith.constant 0 : i32
    return %c1_i32, %arg0, %c0_i32 : i32, i32, i32
  }
  func.func @transform_4(%arg0: i32) -> (i32, i32) {
    %c0_i32 = arith.constant 0 : i32
    %c0_i32_0 = arith.constant 0 : i32
    %c0_i32_1 = arith.constant 0 : i32
    return %c0_i32, %c0_i32_0 : i32, i32
  }
  func.func @transform_5(%arg0: i32) -> (i32, i32) {
    %c0_i32 = arith.constant 0 : i32
    %c0_i32_0 = arith.constant 0 : i32
    %c0_i32_1 = arith.constant 0 : i32
    return %c0_i32, %c0_i32_0 : i32, i32
  }
  func.func @transform_6(%arg0: i32) -> (i32, i32, i32) {
    %c0_i32 = arith.constant 0 : i32
    %c0_i32_0 = arith.constant 0 : i32
    %c0_i32_1 = arith.constant 0 : i32
    return %arg0, %c0_i32, %c0_i32_0 : i32, i32, i32
  }
  func.func @transform_7(%arg0: i32) -> (i32, i32) {
    %c0_i32 = arith.constant 0 : i32
    %c0_i32_0 = arith.constant 0 : i32
    %c0_i32_1 = arith.constant 0 : i32
    return %c0_i32, %c0_i32_0 : i32, i32
  }
  func.func @transform_8(%arg0: i32) -> (i32, i32) {
    %c0_i32 = arith.constant 0 : i32
    %c0_i32_0 = arith.constant 0 : i32
    %c0_i32_1 = arith.constant 0 : i32
    return %c0_i32, %c0_i32_0 : i32, i32
  }
}

</mosaic_0001>

<sc_bundles>
// kernel: kernel.11.cloned.1.call-start
scs
__scs_entry_jumppad:
0x0: {  	(pc) =	sbr.rel $0x88, $3  }
0x1: {  	(tag) =	ssettag $0x0;
	lr =	simm.s32 $0x1  }
0x2: {  	[smem:$0x3F97] =	sst lr;
	_ =	strace $0xD0000000  }
0x3: {  	_ = 	snop  }
0x4: {  	_ = 	snop  }
0x5: {  	_ = 	snop  }
0x6: {  	_ = 	snop  }
0x7: {  	_ = 	snop  }
__scs_overlays_trampoline_lowered:
0x8: {  	[smem:$0x3FA6] =	sst s0  }
0x9: {  	[smem:$0x3FA7] =	sst s1  }
0xa: {  	[smem:$0x3FA8] =	sst s2  }
0xb: {  	[smem:$0x3FA9] =	sst s3  }
0xc: {  	[smem:$0x3FAA] =	sst s4  }
0xd: {  	[smem:$0x3FAB] =	sst s5  }
0xe: {  	[smem:$0x3FAC] =	sst s6  }
0xf: {  	[smem:$0x3FAD] =	sst s7  }
0x10: {  	[smem:$0x3FAE] =	sst s8  }
0x11: {  	[smem:$0x3FAF] =	sst s9;
	s0 =	simm.s32 @!p0 $0x0  }
0x12: {  	s1 =	sld [smem:$0x3F95];
	s0 =	simm.s32 @p0 $0x1  }
0x13: {  	[smem:$0x3FB0] =	sst s0;
	s0 =	simm.s32 @!p1 $0x0  }
0x14: {  	s2 =	sld [smem:$0x3F94];
	s0 =	simm.s32 @p1 $0x1  }
0x15: {  	[smem:$0x3FB1] =	sst s0;
	s0 =	simm.s32 @!p2 $0x0  }
0x16: {  	s3 =	sld [smem:$0x3FDB];
	s0 =	simm.s32 @p2 $0x1  }
0x17: {  	s4 =	simm.s32 $0x1BF5;
	[smem:$0x3FB3] =	sst s0  }
0x18: {  	s0 =	sld [smem:$0x3F96];
	_ =	swait.ge [sflag:s4], $0x0  }
0x19: {  	s7 =	sld [smem:$0x3F97]  }
0x1a: {  	s8 =	sadd.s32 $0xFFFFE003, lr  }
0x1b: {  	s9 =	sadd.s32 $0xFFFFFEF7, lr;
	s5 =	simm.s32 $0xFFFFFFFF;
	p2 =	slt.u32 s8, $0xFFFFF086  }
0x1c: {  	p1 =	slt.u32 s9, $0xF7A;
	s5 =	simm.s32 @!p2 $0x0  }
0x1d: {  	s5 =	simm.s32 @p1 $0x1;
	p0 =	seq.s32 s7, s2  }
0x1e: {  	s7 =	smul.u32 @!p0 $0xF7A, s2;
	p2 =	seq.s32 @!p0 s5, $0x0  }
0x1f: {  	s9 =	smul.u32 $0xF7A, s1;
	s8 =	simm.s32 @!p0 $0x1BF5;
	p2 =	por !p2, p0  }
0x20: {  	[sflag:s8] =	ssyncset.s32 @!p0 $0xFFFFF086;
	s6 =	sadd.s32 @!p0 s3, s7;
	s7 =	simm.s32 @!p0 $0x108  }
0x21: {  	s3 =	sadd.s32 s3, s9;
	s6 =	sadd.s32 @!p0 $0x88, s6;
	s7 =	simm.s32 @p2 $0x1082  }
0x22: {  	[simem:s7], [sflag:s8] =	dma.local @!p0 [hbm:s6], $0xF7A  }
0x23: {  	s9 =	sor.u32 $0xD0000000, s2;
	s6 =	simm.s32 $0x108;
	_ =	swait.ge @!p0 [sflag:s8], $0x0  }
0x24: {  	s3 =	sadd.s32 $0x88, s3;
	s6 =	simm.s32 @!p1 $0x1082;
	[sflag:s4] =	ssyncset.s32 $0xFFFFF086  }
0x25: {  	[simem:s6], [sflag:s4] =	dma.local [hbm:s3], $0xF7A  }
0x26: {  	[smem:$0x3F97] =	sst s1;
	(tag) =	ssettag s2;
	_ =	strace s9  }
0x27: {  	s1 =	sld [smem:$0x3FA7]  }
0x28: {  	s2 =	sld [smem:$0x3FA8]  }
0x29: {  	s4 =	sld [smem:$0x3FAA]  }
0x2a: {  	p0 =	seq.s32 s5, $0x0;
	s5 =	sld [smem:$0x3FAB]  }
0x2b: {  	s6 =	sld [smem:$0x3FAC]  }
0x2c: {  	s7 =	sld [smem:$0x3FAD]  }
0x2d: {  	s3 =	simm.s32 $0x108;
	s8 =	sld [smem:$0x3FAE]  }
0x2e: {  	s3 =	simm.s32 @!p0 $0x1082;
	s9 =	sld [smem:$0x3FAF]  }
0x2f: {  	lr =	sadd.s32 s0, s3;
	s0 =	sld [smem:$0x3FA6]  }
0x30: {  	s3 =	sld [smem:$0x3FA9]  }
0x31: {  	[smem:$0x3FB2] =	sst s10  }
0x32: {  	s10 =	sld [smem:$0x3FB0];
	_ =	sdelay $0x3  }
0x33: {  	p0 =	seq.s32 s10, $0x1;
	s10 =	sld [smem:$0x3FB2];
	_ =	sdelay $0x3  }
0x34: {  	[smem:$0x3FB2] =	sst s10  }
0x35: {  	s10 =	sld [smem:$0x3FB1];
	_ =	sdelay $0x3  }
0x36: {  	p1 =	seq.s32 s10, $0x1;
	s10 =	sld [smem:$0x3FB2];
	_ =	sdelay $0x3  }
0x37: {  	[smem:$0x3FB2] =	sst s10  }
0x38: {  	s10 =	sld [smem:$0x3FB3]  }
0x39: {  	_ = 	snop;
	(pc) =	sbr.ind lr, $3  }
0x3a: {  	_ = 	snop  }
0x3b: {  	_ = 	snop  }
0x3c: {  	p2 =	seq.s32 s10, $0x1;
	s10 =	sld [smem:$0x3FB2]  }
0x3d: {  	_ =	shalt  }
0x3e: {  	_ =	shalt  }
0x3f: {  	_ =	shalt  }
0x40: {  	_ =	shalt  }
0x41: {  	_ =	shalt  }
0x42: {  	_ =	shalt  }
0x43: {  	_ =	shalt  }
0x44: {  	_ =	shalt  }
0x45: {  	_ =	shalt  }
0x46: {  	_ =	shalt  }
0x47: {  	_ =	shalt  }
0x48: {  	_ =	shalt  }
0x49: {  	_ =	shalt  }
0x4a: {  	_ =	shalt  }
0x4b: {  	_ =	shalt  }
0x4c: {  	_ =	shalt  }
0x4d: {  	_ =	shalt  }
0x4e: {  	_ =	shalt  }
0x4f: {  	_ =	shalt  }
0x50: {  	_ =	shalt  }
0x51: {  	_ =	shalt  }
0x52: {  	_ =	shalt  }
0x53: {  	_ =	shalt  }
0x54: {  	_ =	shalt  }
0x55: {  	_ =	shalt  }
0x56: {  	_ =	shalt  }
0x57: {  	_ =	shalt  }
0x58: {  	_ =	shalt  }
0x59: {  	_ =	shalt  }
0x5a: {  	_ =	shalt  }
0x5b: {  	_ =	shalt  }
0x5c: {  	_ =	shalt  }
0x5d: {  	_ =	shalt  }
0x5e: {  	_ =	shalt  }
0x5f: {  	_ =	shalt  }
0x60: {  	_ =	shalt  }
0x61: {  	_ =	shalt  }
0x62: {  	_ =	shalt  }
0x63: {  	_ =	shalt  }
0x64: {  	_ =	shalt  }
0x65: {  	_ =	shalt  }
0x66: {  	_ =	shalt  }
0x67: {  	_ =	shalt  }
0x68: {  	_ =	shalt  }
0x69: {  	_ =	shalt  }
0x6a: {  	_ =	shalt  }
0x6b: {  	_ =	shalt  }
0x6c: {  	_ =	shalt  }
0x6d: {  	_ =	shalt  }
0x6e: {  	_ =	shalt  }
0x6f: {  	_ =	shalt  }
0x70: {  	_ =	shalt  }
0x71: {  	_ =	shalt  }
0x72: {  	_ =	shalt  }
0x73: {  	_ =	shalt  }
0x74: {  	_ =	shalt  }
0x75: {  	_ =	shalt  }
0x76: {  	_ =	shalt  }
0x77: {  	_ =	shalt  }
0x78: {  	_ =	shalt  }
0x79: {  	_ =	shalt  }
0x7a: {  	_ =	shalt  }
0x7b: {  	_ =	shalt  }
0x7c: {  	_ =	shalt  }
0x7d: {  	_ =	shalt  }
0x7e: {  	_ =	shalt  }
0x7f: {  	_ =	shalt  }
0x80: {  	_ =	shalt  }
0x81: {  	_ =	shalt  }
0x82: {  	_ =	shalt  }
0x83: {  	_ =	shalt  }
0x84: {  	_ =	shalt  }
0x85: {  	_ =	shalt  }
0x86: {  	_ =	shalt  }
0x87: {  	_ =	shalt  }
.Lfunc_end0:
.L_simem_size_0:
called_computation.1_lowered:
.L_overlay_start_0:
0x88: {  	s2 =	sld [smem:$0x3FD9]  }
0x89: {  	s3 =	sld [smem:$0x3FFE];
	_ =	sdelay $0x1  }
0x8a: {  	s1 =	srdreg.scid  }
0x8b: {  	s0 =	sand.u32 $0x1, s1  }
0x8c: {  	s16 =	sshll.u32 s0, $0xA;
	s2 =	sadd.s32 s3, s2  }
0x8d: {  	s2 =	sadd.s32 s2, s16  }
0x8e: {  	[smem:$0x3FBE] =	sst s2  }
0x8f: {  	_ = 	snop  }
0x90: {  	(tm) =	ssettm $0x1  }
0x91: {  	s17 =	sld [smem:$0x3FFB];
	_ =	sdelay $0x3  }
0x92: {  	_ =	strace s17  }
0x93: {  	s2 =	sld [smem:$0x3FFC];
	_ =	sdelay $0x3  }
0x94: {  	_ =	strace s2  }
0x95: {  	s2 =	sld [smem:$0x3FFD];
	_ =	sdelay $0x3  }
0x96: {  	_ =	strace s2  }
0x97: {  	_ =	strace $0x8FFFFFFF  }
0x98: {  	s18 =	sld [smem:$0x3FDB];
	_ =	sdelay $0x1  }
0x99: {  	s19 =	simm.s32 $_scs_section_size  }
0x9a: {  	s4 =	simm.s32 $_size__tile_overlayer_lowered;
	s5 =	simm.s32 $_tile_overlayer_lowered  }
0x9b: {  	s22 =	simm.s32 $0x1BFF;
	s21 =	sshll.u32 s5, $0x1;
	s2 =	sadd.s32 s19, s18  }
0x9c: {  	s6 =	simm.s32 $0x0;
	s20 =	sshll.u32 s4, $0x1;
	s4 =	sadd.s32 s21, s2  }
0x9d: {  	[timem:s6], [sflag:s22] =	dma.local [hbm:s4], s20  }
0x9e: {  	_ =	swait.ge [sflag:s22], s20  }
0x9f: {  	s3 =	ssub.s32 $0x0, s20;
	[sflag:s22] =	ssyncset.done $0x0  }
0xa0: {  	[sflag:s22] =	ssyncadd.s32 s3;
	_ =	sdelay $0x1  }
0xa1: {  	s23 =	simm.s32 $0x1B8B  }
0xa2: {  	_ =	swait.ge [sflag:s23], $0x1  }
0xa3: {  	[sflag:s23] =	ssyncset.done $0x0  }
0xa4: {  	s25 =	simm.s32 $0x1B8E;
	s24 =	sld [smem:$0x3FFE];
	[sflag:s23] =	ssyncadd.s32 $0xFFFFFFFF  }
0xa5: {  	s26 =	simm.s32 $execute0_lowered;
	[smem:$0x3FD2] =	sst s25  }
0xa6: {  	s4 =	sshll.u32 s26, $0x1;
	_ =	strace $0x80000049;
	[dreg:$0x1] =	wrdreg $0xFFFFFFFF  }
0xa7: {  	s28 =	simm.s32 $_size_execute0_lowered;
	s2 =	sadd.s32 s2, s4;
	[dreg:$0x0] =	wrdreg $0x0  }
0xa8: {  	s4 =	sshll.u32 s28, $0x1;
	[dreg:$0x2] =	wrdreg s2  }
0xa9: {  	[dreg:$0x3] =	wrdreg s4  }
0xaa: {  	[dreg:$0x4] =	wrdreg $0xC0  }
0xab: {  	_ =	task [dreg:s6], $0x5FFFF  }
0xac: {  	[dreg:$0x1] =	wrdreg $0xFFFFFFFF  }
0xad: {  	[dreg:$0x0] =	wrdreg $0x60  }
0xae: {  	[dreg:$0x2] =	wrdreg s24  }
0xaf: {  	[dreg:$0x3] =	wrdreg $0x82000  }
0xb0: {  	[dreg:$0x4] =	wrdreg $0x9  }
0xb1: {  	_ =	task.clear_ibuf [dreg:s6], $0x5FFFF;
	_ =	strace $0x90000049  }
0xb2: {  	s29 =	simm.s32 $0x9;
	_ =	strace $0x8000004B  }
0xb3: {  	_ =	swait.ge [sflag:s29], $0x1  }
0xb4: {  	[sflag:s29] =	ssyncadd.s32 $0xFFFFFFFF  }
0xb5: {  	_ =	strace $0x9000004B  }
0xb6: {  	_ =	sfence  }
0xb7: {  	s30 =	sld [smem:$0x0];
	_ =	sdelay $0x2  }
0xb8: {  	s31 =	sshll.u32 s1, $0xD;
	s1 =	sshrl.u32 s1, $0x2  }
0xb9: {  	s3 =	sand.u32 $0x4000, s31;
	s1 =	sadd.s32 s1, s30  }
0xba: {  	s0 =	sor.u32 s3, s0;
	s1 =	sshll.u32 s1, $0x11  }
0xbb: {  	s0 =	sor.u32 s1, s0  }
0xbc: {  	s0 =	sadd.s32 $0x8F2B, s0  }
0xbd: {  	[sflag:s0] =	ssyncadd.remote.s32 $0x1  }
0xbe: {  	_ =	sfence.sel $0xFFFF  }
0xbf: {  	[dreg:$0x0] =	wrdreg $0xFFFFFFFF;
	(pc) =	sbr.abs _section_cstart, $3  }
0xc0: {  	[dreg:$0x1] =	wrdreg $0xFFFFFFFF  }
0xc1: {  	_ =	task.clear_ibuf [dreg:s6], $0x2FFFF;
	_ =	strace $0x9FFFFFFF  }
0xc2: {  	(tm) =	ssettm $0x7FFFFFFF  }
0xc3: {  	_ =	shalt  }
tec
execute0_lowered:
.L_overlay_start_1:
0x0: {  	(tag) =	ssettag $0x1  }
0x1: {  	s8 =	rddreg [dreg:$0x0]  }
0x2: {  	s1 =	rddreg [dreg:$0x1];
	s2 =	simm.s32 $0x0;
	s3 =	srdreg.scid  }
0x3: {  	s0 =	stileid.u32;
	s20 =	simm.s32 $0x180;
	s28 =	simm.s32 $0x0  }
0x4: {  	[smem:$0x7FF] =	sst s2;
	s9 =	sand.u32 $0x1, s3;
	s11 =	smul.u32 $0x14000, s0  }
0x5: {  	s4 =	sadd.s32 $0x10E00, s8;
	s5 =	sadd.s32 $0x60E00, s8;
	s13 =	smul.u32 $0x50000, s0  }
0x6: {  	s6 =	sadd.s32 $0x4600, s8;
	s21 =	sadd.s32 $0xE600, s8;
	s15 =	smul.u32 $0xA0, s0  }
0x7: {  	s25 =	sshll.u32 s0, $0x6;
	_ =	strace $0x8000004A;
	s10 =	smul.u32 $0x140000, s9  }
0x8: {  	[dreg:$0x4] =	wrdreg s21;
	s12 =	smul.u32 $0xA00, s9;
	s22 =	ssub.s32 $0x2, s9  }
0x9: {  	s26 =	smul.u32 $0xA000, s9;
	s9 =	sor.u32 $0x1C05, s25;
	s21 =	simm.s32 $0x1  }
0xa: {  	s25 =	simm.s32 $0x3;
	s14 =	sshrl.u32 s22, $0x1;
	s23 =	sshrl.u32 s13, $0x2  }
0xb: {  	s10 =	sadd.s32 s11, s10;
	s17 =	ssub.s32 s22, s14;
	s24 =	sadd.s32 s15, s12  }
0xc: {  	s18 =	sadd.s32 s23, s1;
	s22 =	simm.s32 $0x200;
	s23 =	simm.s32 $0x2  }
0xd: {  	s10 =	sshrl.u32 s10, $0x3;
	s15 =	smax.u32 s17, $0x1;
	s17 =	simm.s32 $0x5  }
0xe: {  	s16 =	sadd.s32 s10, s8;
	s8 =	smul.u32 $0xA00, s0;
	s10 =	sshll.u32 s24, $0x4  }
0xf: {  	s24 =	simm.s32 $0x4200;
	s10 =	sadd.s32 s5, s10;
	s31 =	sadd.s32 $0x74E00, s16  }
0x10: {  	s16 =	sshrl.u32 s18, $0x3;
	s29 =	sadd.s32 $0x10, s10;
	[dreg:$0x7] =	wrdreg s31  }
0x11: {  	s11 =	sadd.s32 s6, s8;
	s19 =	sadd.s32 s8, s26;
	[dreg:$0x5] =	wrdreg s29  }
0x12: {  	s18 =	simm.s32 $0x100;
	s30 =	sadd.s32 $0x10, s11;
	[dreg:$0x3] =	wrdreg s19  }
0x13: {  	s26 =	simm.s32 $0x4;
	s19 =	simm.s32 $0x80;
	[dreg:$0x6] =	wrdreg s30  }
.LBB2_1:
0x14: {  	s0 =	rddreg [dreg:$0x4]  }
0x15: {  	[spmem:s16], [sflag:s9] =	dma.local [hbm:s0], $0x2800  }
0x16: {  	_ =	swait.ge [sflag:s17], $0x2800  }
0x17: {  	[sflag:s17] =	ssyncset.done $0x0  }
0x18: {  	[sflag:s17] =	ssyncadd.s32 $0xFFFFD800  }
0x19: {  	[tilespmem:s2], [sflag:$0x1] =	stream.linear.gather [hbm4b:s10+s2], $0x80, $0x38;
	[tilespmem:$0x1C200] =	vst v63  }
0x1a: {  	_ = 	snop  }
0x1b: {  	[tilespmem:s18], [sflag:$0x1] =	stream.linear.gather [hbm4b:s11+s2], $0x80, $0x38;
	[tilespmem:$0x1C200] =	vst v63  }
0x1c: {  	s31 =	rddreg [dreg:$0x5]  }
0x1d: {  	[tilespmem:s19], [sflag:$0x2] =	stream.linear.gather [hbm4b:s31+s2], $0x80, $0x38;
	[tilespmem:$0x1C200] =	vst v63  }
0x1e: {  	s3 =	rddreg [dreg:$0x6]  }
0x1f: {  	[tilespmem:s20], [sflag:$0x2] =	stream.linear.gather [hbm4b:s3+s2], $0x80, $0x38;
	[tilespmem:$0x1C200] =	vst v63  }
0x20: {  	_ =	swait.ge [sflag:s21], $0x80  }
0x21: {  	[sflag:s21] =	ssyncset.done $0x0  }
0x22: {  	[sflag:s21] =	ssyncadd.s32 $0xFFFFFF80  }
0x23: {  	_ =	swait.ge [sflag:s21], $0x80  }
0x24: {  	[sflag:s21] =	ssyncset.done $0x0  }
0x25: {  	[sflag:s21] =	ssyncadd.s32 $0xFFFFFF80  }
0x26: {  	[tilespmem:s22], [sflag:$0x3] =	stream.indirect.gather [hbm4b:s4+s19], $0x80, s2, s19, $0xb8;
	[tilespmem:$0x1C200] =	vst v63  }
0x27: {  	[bflag:$0x0] =	sbarrier.arrive $0xFFFF  }
0x28: {  	_ =	swait.ge [sflag:s23], $0x80  }
0x29: {  	[sflag:s23] =	ssyncset.done $0x0  }
0x2a: {  	[sflag:s23] =	ssyncadd.s32 $0xFFFFFF80  }
0x2b: {  	_ =	swait.ge [sflag:s23], $0x80  }
0x2c: {  	[sflag:s23] =	ssyncset.done $0x0  }
0x2d: {  	[sflag:s23] =	ssyncadd.s32 $0xFFFFFF80  }
0x2e: {  	[tilespmem:s24], [sflag:$0x4] =	stream.indirect.gather [hbm4b:s4+s19], $0x80, s19, s19, $0xb8;
	[tilespmem:$0x1C200] =	vst v63  }
0x2f: {  	_ =	swait.ge [sflag:s25], $0x4000  }
0x30: {  	[sflag:s25] =	ssyncset.done $0x0  }
0x31: {  	[sflag:s25] =	ssyncadd.s32 $0xFFFFC000  }
0x32: {  	[spmem:s1] =	stream.indirect.scatter.add.f32 [tilespmem:s22], [sflag:$0x5], $0x80, s18, s19, $0xb8;
	[tilespmem:$0x1C200] =	vst v63  }
0x33: {  	_ =	swait.ge [sflag:s17], $0x4000  }
0x34: {  	s29 =	rddreg [dreg:$0x3]  }
0x35: {  	s30 =	simm.s32 $0x20;
	s29 =	sadd.s32 $0x30, s29  }
0x36: {  	s12 =	sadd.s32 $0x30, s8;
	s30 =	sand.u32 $0x60, s30;
	s31 =	sadd.s32 $0xFFFFFFF0, s29  }
0x37: {  	s7 =	sadd.s32 s5, s30;
	[sflag:s17] =	ssyncset.done $0x0;
	s31 =	sand.u32 $0x3FF80, s31  }
0x38: {  	s13 =	sadd.s32 $0xFFFFFFF0, s12;
	[sflag:s17] =	ssyncadd.s32 $0xFFFFC000;
	s0 =	sadd.s32 s31, s7  }
0x39: {  	[tilespmem:s2], [sflag:$0x1] =	stream.linear.gather [hbm4b:s0+s2], $0x80, $0x38;
	[tilespmem:$0x1C200] =	vst v63  }
0x3a: {  	s30 =	sadd.s32 s6, s30;
	s0 =	sand.u32 $0x1FF80, s13  }
0x3b: {  	s0 =	sadd.s32 s0, s30  }
0x3c: {  	[tilespmem:s18], [sflag:$0x1] =	stream.linear.gather [hbm4b:s0+s2], $0x80, $0x38;
	[tilespmem:$0x1C200] =	vst v63  }
0x3d: {  	_ =	swait.ge [sflag:s21], $0x80  }
0x3e: {  	[sflag:s21] =	ssyncset.done $0x0  }
0x3f: {  	[sflag:s21] =	ssyncadd.s32 $0xFFFFFF80  }
0x40: {  	_ =	swait.ge [sflag:s21], $0x80  }
0x41: {  	[sflag:s21] =	ssyncset.done $0x0  }
0x42: {  	[sflag:s21] =	ssyncadd.s32 $0xFFFFFF80  }
0x43: {  	[tilespmem:s22], [sflag:$0x3] =	stream.indirect.gather [hbm4b:s4+s19], $0x80, s2, s19, $0xb8;
	[tilespmem:$0x1C200] =	vst v63  }
0x44: {  	_ =	swait.ge [sflag:s26], $0x4000  }
0x45: {  	[sflag:s26] =	ssyncset.done $0x0  }
0x46: {  	s14 =	simm.s32 $0x30;
	[sflag:s26] =	ssyncadd.s32 $0xFFFFC000  }
0x47: {  	[spmem:s1] =	stream.indirect.scatter.add.f32 [tilespmem:s24], [sflag:$0x5], $0x80, s20, s19, $0xb8;
	[tilespmem:$0x1C200] =	vst v63  }
0x48: {  	s0 =	sand.u32 $0x70, s14;
	_ =	swait.ge [sflag:s17], $0x4000  }
0x49: {  	s29 =	sand.u32 $0x3FF80, s29;
	s30 =	sadd.s32 s5, s0;
	[sflag:s17] =	ssyncset.done $0x0  }
0x4a: {  	s29 =	sadd.s32 s29, s30;
	[sflag:s17] =	ssyncadd.s32 $0xFFFFC000  }
0x4b: {  	[tilespmem:s19], [sflag:$0x2] =	stream.linear.gather [hbm4b:s29+s2], $0x80, $0x38;
	[tilespmem:$0x1C200] =	vst v63  }
0x4c: {  	s0 =	sadd.s32 s6, s0;
	s29 =	sand.u32 $0x1FF80, s12  }
0x4d: {  	s0 =	sadd.s32 s29, s0  }
0x4e: {  	[tilespmem:s20], [sflag:$0x2] =	stream.linear.gather [hbm4b:s0+s2], $0x80, $0x38;
	[tilespmem:$0x1C200] =	vst v63  }
0x4f: {  	_ =	swait.ge [sflag:s23], $0x80  }
0x50: {  	[sflag:s23] =	ssyncset.done $0x0  }
0x51: {  	[sflag:s23] =	ssyncadd.s32 $0xFFFFFF80  }
0x52: {  	_ =	swait.ge [sflag:s23], $0x80  }
0x53: {  	[sflag:s23] =	ssyncset.done $0x0  }
0x54: {  	[sflag:s23] =	ssyncadd.s32 $0xFFFFFF80  }
0x55: {  	[tilespmem:s24], [sflag:$0x4] =	stream.indirect.gather [hbm4b:s4+s19], $0x80, s19, s19, $0xb8;
	[tilespmem:$0x1C200] =	vst v63  }
0x56: {  	_ =	swait.ge [sflag:s25], $0x4000  }
0x57: {  	[sflag:s25] =	ssyncset.done $0x0  }
0x58: {  	[sflag:s25] =	ssyncadd.s32 $0xFFFFC000  }
0x59: {  	[spmem:s1] =	stream.indirect.scatter.add.f32 [tilespmem:s22], [sflag:$0x5], $0x80, s18, s19, $0xb8;
	[tilespmem:$0x1C200] =	vst v63  }
0x5a: {  	s30 =	simm.s32 $0x70;
	s29 =	simm.s32 $0x50;
	_ =	swait.ge [sflag:s17], $0x4000  }
.LBB2_2:
0x5b: {  	s0 =	rddreg [dreg:$0x3];
	[sflag:s17] =	ssyncset.done $0x0  }
0x5c: {  	s3 =	sadd.s32 $0xFFFFFFF0, s29;
	s13 =	sadd.s32 s29, s8;
	s0 =	sadd.s32 s29, s0  }
0x5d: {  	[sflag:s17] =	ssyncadd.s32 $0xFFFFC000;
	s3 =	sand.u32 $0x60, s3;
	s7 =	sadd.s32 $0xFFFFFFF0, s0  }
0x5e: {  	s14 =	sadd.s32 $0xFFFFFFF0, s13;
	s12 =	sadd.s32 s5, s3;
	s7 =	sand.u32 $0x3FF80, s7  }
0x5f: {  	s14 =	sand.u32 $0x1FF80, s14;
	s3 =	sadd.s32 s6, s3;
	s7 =	sadd.s32 s7, s12  }
0x60: {  	[tilespmem:s2], [sflag:$0x1] =	stream.linear.gather [hbm4b:s7+s2], $0x80, $0x38;
	[tilespmem:$0x1C200] =	vst v63  }
0x61: {  	s3 =	sadd.s32 s14, s3  }
0x62: {  	[tilespmem:s18], [sflag:$0x1] =	stream.linear.gather [hbm4b:s3+s2], $0x80, $0x38;
	[tilespmem:$0x1C200] =	vst v63  }
0x63: {  	_ =	swait.ge [sflag:s21], $0x80  }
0x64: {  	[sflag:s21] =	ssyncset.done $0x0  }
0x65: {  	[sflag:s21] =	ssyncadd.s32 $0xFFFFFF80  }
0x66: {  	_ =	swait.ge [sflag:s21], $0x80  }
0x67: {  	[sflag:s21] =	ssyncset.done $0x0  }
0x68: {  	[sflag:s21] =	ssyncadd.s32 $0xFFFFFF80  }
0x69: {  	[tilespmem:s22], [sflag:$0x3] =	stream.indirect.gather [hbm4b:s4+s19], $0x80, s2, s19, $0xb8;
	[tilespmem:$0x1C200] =	vst v63  }
0x6a: {  	_ =	swait.ge [sflag:s26], $0x4000  }
0x6b: {  	[sflag:s26] =	ssyncset.done $0x0  }
0x6c: {  	s31 =	smov.u32 s30;
	s13 =	sand.u32 $0x1FF80, s13;
	[sflag:s26] =	ssyncadd.s32 $0xFFFFC000  }
0x6d: {  	[spmem:s1] =	stream.indirect.scatter.add.f32 [tilespmem:s24], [sflag:$0x5], $0x80, s20, s19, $0xb8;
	[tilespmem:$0x1C200] =	vst v63  }
0x6e: {  	s0 =	sand.u32 $0x3FF80, s0;
	s14 =	sand.u32 $0x70, s29;
	_ =	swait.ge [sflag:s17], $0x4000  }
0x6f: {  	s29 =	smov.u32 s31;
	s31 =	sadd.s32 s5, s14;
	[sflag:s17] =	ssyncset.done $0x0  }
0x70: {  	s0 =	sadd.s32 s0, s31;
	s3 =	sadd.s32 s6, s14;
	[sflag:s17] =	ssyncadd.s32 $0xFFFFC000  }
0x71: {  	[tilespmem:s19], [sflag:$0x2] =	stream.linear.gather [hbm4b:s0+s2], $0x80, $0x38;
	[tilespmem:$0x1C200] =	vst v63  }
0x72: {  	s3 =	sadd.s32 s13, s3  }
0x73: {  	[tilespmem:s20], [sflag:$0x2] =	stream.linear.gather [hbm4b:s3+s2], $0x80, $0x38;
	[tilespmem:$0x1C200] =	vst v63  }
0x74: {  	_ =	swait.ge [sflag:s23], $0x80  }
0x75: {  	[sflag:s23] =	ssyncset.done $0x0  }
0x76: {  	[sflag:s23] =	ssyncadd.s32 $0xFFFFFF80  }
0x77: {  	_ =	swait.ge [sflag:s23], $0x80  }
0x78: {  	[sflag:s23] =	ssyncset.done $0x0  }
0x79: {  	p0 =	sne.s32 s30, $0x9F0;
	[sflag:s23] =	ssyncadd.s32 $0xFFFFFF80  }
0x7a: {  	[tilespmem:s24], [sflag:$0x4] =	stream.indirect.gather [hbm4b:s4+s19], $0x80, s19, s19, $0xb8;
	[tilespmem:$0x1C200] =	vst v63  }
.Ltmp0:
0x7b: {  	_ =	swait.ge [sflag:s25], $0x4000;
	(pc) =	sbr.rel @p0 .LBB2_2-.Ltmp0, $4  }
0x7c: {  	[sflag:s25] =	ssyncset.done $0x0  }
0x7d: {  	[sflag:s25] =	ssyncadd.s32 $0xFFFFC000  }
0x7e: {  	[spmem:s1] =	stream.indirect.scatter.add.f32 [tilespmem:s22], [sflag:$0x5], $0x80, s18, s19, $0xb8;
	[tilespmem:$0x1C200] =	vst v63  }
0x7f: {  	s30 =	sadd.s32 $0x20, s30;
	_ =	swait.ge [sflag:s17], $0x4000  }
0x80: {  	s0 =	rddreg [dreg:$0x3]  }
0x81: {  	s3 =	sadd.s32 $0xFFFFFFF0, s29;
	s0 =	sadd.s32 s29, s0  }
0x82: {  	[sflag:s17] =	ssyncset.done $0x0;
	s3 =	sand.u32 $0x60, s3;
	s7 =	sadd.s32 $0xFFFFFFF0, s0  }
0x83: {  	s31 =	sadd.s32 s29, s8;
	s12 =	sadd.s32 s5, s3;
	s7 =	sand.u32 $0x3FF80, s7  }
0x84: {  	[sflag:s17] =	ssyncadd.s32 $0xFFFFC000;
	s13 =	sadd.s32 $0xFFFFFFF0, s31;
	s7 =	sadd.s32 s7, s12  }
0x85: {  	[tilespmem:s2], [sflag:$0x1] =	stream.linear.gather [hbm4b:s7+s2], $0x80, $0x38;
	[tilespmem:$0x1C200] =	vst v63  }
0x86: {  	s3 =	sadd.s32 s6, s3;
	s7 =	sand.u32 $0x1FF80, s13  }
0x87: {  	s3 =	sadd.s32 s7, s3  }
0x88: {  	[tilespmem:s18], [sflag:$0x1] =	stream.linear.gather [hbm4b:s3+s2], $0x80, $0x38;
	[tilespmem:$0x1C200] =	vst v63  }
0x89: {  	_ =	swait.ge [sflag:s21], $0x80  }
0x8a: {  	[sflag:s21] =	ssyncset.done $0x0  }
0x8b: {  	[sflag:s21] =	ssyncadd.s32 $0xFFFFFF80  }
0x8c: {  	_ =	swait.ge [sflag:s21], $0x80  }
0x8d: {  	[sflag:s21] =	ssyncset.done $0x0  }
0x8e: {  	[sflag:s21] =	ssyncadd.s32 $0xFFFFFF80  }
0x8f: {  	[tilespmem:s22], [sflag:$0x3] =	stream.indirect.gather [hbm4b:s4+s19], $0x80, s2, s19, $0xb8;
	[tilespmem:$0x1C200] =	vst v63  }
0x90: {  	_ =	swait.ge [sflag:s26], $0x4000  }
0x91: {  	[sflag:s26] =	ssyncset.done $0x0  }
0x92: {  	s14 =	sand.u32 $0x70, s29;
	[sflag:s26] =	ssyncadd.s32 $0xFFFFC000  }
0x93: {  	[spmem:s1] =	stream.indirect.scatter.add.f32 [tilespmem:s24], [sflag:$0x5], $0x80, s20, s19, $0xb8;
	[tilespmem:$0x1C200] =	vst v63  }
0x94: {  	s29 =	sadd.s32 s5, s14;
	_ =	swait.ge [sflag:s17], $0x4000  }
0x95: {  	s30 =	sand.u32 $0x1FF80, s31;
	s0 =	sand.u32 $0x3FF80, s0;
	[sflag:s17] =	ssyncset.done $0x0  }
0x96: {  	s0 =	sadd.s32 s0, s29;
	s3 =	sadd.s32 s6, s14;
	[sflag:s17] =	ssyncadd.s32 $0xFFFFC000  }
0x97: {  	[tilespmem:s19], [sflag:$0x2] =	stream.linear.gather [hbm4b:s0+s2], $0x80, $0x38;
	[tilespmem:$0x1C200] =	vst v63  }
0x98: {  	s0 =	sadd.s32 s30, s3  }
0x99: {  	[tilespmem:s20], [sflag:$0x2] =	stream.linear.gather [hbm4b:s0+s2], $0x80, $0x38;
	[tilespmem:$0x1C200] =	vst v63  }
0x9a: {  	_ =	swait.ge [sflag:s23], $0x80  }
0x9b: {  	[sflag:s23] =	ssyncset.done $0x0  }
0x9c: {  	[sflag:s23] =	ssyncadd.s32 $0xFFFFFF80  }
0x9d: {  	_ =	swait.ge [sflag:s23], $0x80  }
0x9e: {  	[sflag:s23] =	ssyncset.done $0x0  }
0x9f: {  	[sflag:s23] =	ssyncadd.s32 $0xFFFFFF80  }
0xa0: {  	[tilespmem:s24], [sflag:$0x4] =	stream.indirect.gather [hbm4b:s4+s19], $0x80, s19, s19, $0xb8;
	[tilespmem:$0x1C200] =	vst v63  }
0xa1: {  	_ =	swait.ge [sflag:s25], $0x4000  }
0xa2: {  	[sflag:s25] =	ssyncset.done $0x0  }
0xa3: {  	[sflag:s25] =	ssyncadd.s32 $0xFFFFC000  }
0xa4: {  	[spmem:s1] =	stream.indirect.scatter.add.f32 [tilespmem:s22], [sflag:$0x5], $0x80, s18, s19, $0xb8;
	[tilespmem:$0x1C200] =	vst v63  }
0xa5: {  	_ =	swait.ge [sflag:s17], $0x4000  }
0xa6: {  	[sflag:s17] =	ssyncset.done $0x0  }
0xa7: {  	[sflag:s17] =	ssyncadd.s32 $0xFFFFC000  }
0xa8: {  	_ =	swait.ge [sflag:s26], $0x4000  }
0xa9: {  	[sflag:s26] =	ssyncset.done $0x0  }
0xaa: {  	[sflag:s26] =	ssyncadd.s32 $0xFFFFC000  }
0xab: {  	[spmem:s1] =	stream.indirect.scatter.add.f32 [tilespmem:s24], [sflag:$0x5], $0x80, s20, s19, $0xb8;
	[tilespmem:$0x1C200] =	vst v63  }
0xac: {  	_ =	swait.ge [sflag:s17], $0x4000  }
0xad: {  	[sflag:s17] =	ssyncset.done $0x0  }
0xae: {  	s28 =	sadd.s32 $0x1, s28;
	[sflag:s17] =	ssyncadd.s32 $0xFFFFC000  }
0xaf: {  	p0 =	sne.s32 s28, s15;
	[bflag:$0x0] =	sbarrier.arrive $0xFFFF  }
.Ltmp1:
0xb0: {  	s31 =	rddreg [dreg:$0x7];
	(pc) =	sbr.rel @p0 .LBB2_1-.Ltmp1, $4  }
0xb1: {  	[hbm:s31], [sflag:s9] =	dma.local [spmem:s16], $0x2800  }
0xb2: {  	_ =	swait.ge [sflag:s17], $0x2800  }
0xb3: {  	[sflag:s17] =	ssyncset.done $0x0  }
0xb4: {  	[sflag:s17] =	ssyncadd.s32 $0xFFFFD800  }
0xb5: {  	_ =	sfence.sel $0x180000  }
0xb6: {  	[bflag:$0x0] =	sbarrier.arrive $0xFFFF  }
0xb7: {  	_ =	strace $0x9000004A  }
0xb8: {  	s0 =	stileid.u32;
	[bflag:$0x2] =	sbarrier.arrive $0xFFFF  }
0xb9: {  	p0 =	sne.s32 s0, $0x0;
	s0 =	rddreg [dreg:$0x2]  }
0xba: {  	s0 =	sadd.s32 @!p0 $0x100000, s0  }
0xbb: {  	[sflag:s0] =	ssyncadd.tile.s32 @!p0 $0x1;
	_ =	shalt  }
.Lfunc_end2:
_tile_overlayer_lowered:
.L_overlay_start_2:
0xbc: {  	(tag) =	ssettag $0x2  }
0xbd: {  	s0 =	rddreg [dreg:$0x0];
	s2 =	stileid.u32  }
0xbe: {  	s1 =	rddreg [dreg:$0x1];
	p0 =	sne.s32 s2, $0x0  }
0xbf: {  	s3 =	rddreg [dreg:$0x2];
	[bflag:$0x3] =	sbarrier.arrive $0xFFFF;
	s2 =	simm.s32 @!p0 $0x1C05  }
0xc0: {  	[timem:s3], [sflag:s2] =	dma.local @!p0 [hbm:s0], s1  }
0xc1: {  	s0 =	simm.s32 @!p0 $0x5  }
0xc2: {  	_ =	swait.ge @!p0 [sflag:s0], s1  }
0xc3: {  	s1 =	ssub.s32 @!p0 $0x0, s1;
	[sflag:s0] =	ssyncset.done @!p0 $0x0  }
0xc4: {  	[sflag:s0] =	ssyncadd.s32 @!p0 s1  }
0xc5: {  	[bflag:$0x3] =	sbarrier.arrive $0xFFFF  }
0xc6: {  	_ =	shalt  }

// kernel: kernel.14.cloned.1.call-start
scs
__scs_entry_jumppad:
0x0: {  	(pc) =	sbr.rel $0x88, $3  }
0x1: {  	(tag) =	ssettag $0x0;
	lr =	simm.s32 $0x1  }
0x2: {  	[smem:$0x3F97] =	sst lr;
	_ =	strace $0xD0000000  }
0x3: {  	_ = 	snop  }
0x4: {  	_ = 	snop  }
0x5: {  	_ = 	snop  }
0x6: {  	_ = 	snop  }
0x7: {  	_ = 	snop  }
__scs_overlays_trampoline_lowered:
0x8: {  	[smem:$0x3FA6] =	sst s0  }
0x9: {  	[smem:$0x3FA7] =	sst s1  }
0xa: {  	[smem:$0x3FA8] =	sst s2  }
0xb: {  	[smem:$0x3FA9] =	sst s3  }
0xc: {  	[smem:$0x3FAA] =	sst s4  }
0xd: {  	[smem:$0x3FAB] =	sst s5  }
0xe: {  	[smem:$0x3FAC] =	sst s6  }
0xf: {  	[smem:$0x3FAD] =	sst s7  }
0x10: {  	[smem:$0x3FAE] =	sst s8  }
0x11: {  	[smem:$0x3FAF] =	sst s9;
	s0 =	simm.s32 @!p0 $0x0  }
0x12: {  	s1 =	sld [smem:$0x3F95];
	s0 =	simm.s32 @p0 $0x1  }
0x13: {  	[smem:$0x3FB0] =	sst s0;
	s0 =	simm.s32 @!p1 $0x0  }
0x14: {  	s2 =	sld [smem:$0x3F94];
	s0 =	simm.s32 @p1 $0x1  }
0x15: {  	[smem:$0x3FB1] =	sst s0;
	s0 =	simm.s32 @!p2 $0x0  }
0x16: {  	s3 =	sld [smem:$0x3FDB];
	s0 =	simm.s32 @p2 $0x1  }
0x17: {  	s4 =	simm.s32 $0x1BF5;
	[smem:$0x3FB3] =	sst s0  }
0x18: {  	s0 =	sld [smem:$0x3F96];
	_ =	swait.ge [sflag:s4], $0x0  }
0x19: {  	s7 =	sld [smem:$0x3F97]  }
0x1a: {  	s8 =	sadd.s32 $0xFFFFE003, lr  }
0x1b: {  	s9 =	sadd.s32 $0xFFFFFEF7, lr;
	s5 =	simm.s32 $0xFFFFFFFF;
	p2 =	slt.u32 s8, $0xFFFFF086  }
0x1c: {  	p1 =	slt.u32 s9, $0xF7A;
	s5 =	simm.s32 @!p2 $0x0  }
0x1d: {  	s5 =	simm.s32 @p1 $0x1;
	p0 =	seq.s32 s7, s2  }
0x1e: {  	s7 =	smul.u32 @!p0 $0xF7A, s2;
	p2 =	seq.s32 @!p0 s5, $0x0  }
0x1f: {  	s9 =	smul.u32 $0xF7A, s1;
	s8 =	simm.s32 @!p0 $0x1BF5;
	p2 =	por !p2, p0  }
0x20: {  	[sflag:s8] =	ssyncset.s32 @!p0 $0xFFFFF086;
	s6 =	sadd.s32 @!p0 s3, s7;
	s7 =	simm.s32 @!p0 $0x108  }
0x21: {  	s3 =	sadd.s32 s3, s9;
	s6 =	sadd.s32 @!p0 $0x88, s6;
	s7 =	simm.s32 @p2 $0x1082  }
0x22: {  	[simem:s7], [sflag:s8] =	dma.local @!p0 [hbm:s6], $0xF7A  }
0x23: {  	s9 =	sor.u32 $0xD0000000, s2;
	s6 =	simm.s32 $0x108;
	_ =	swait.ge @!p0 [sflag:s8], $0x0  }
0x24: {  	s3 =	sadd.s32 $0x88, s3;
	s6 =	simm.s32 @!p1 $0x1082;
	[sflag:s4] =	ssyncset.s32 $0xFFFFF086  }
0x25: {  	[simem:s6], [sflag:s4] =	dma.local [hbm:s3], $0xF7A  }
0x26: {  	[smem:$0x3F97] =	sst s1;
	(tag) =	ssettag s2;
	_ =	strace s9  }
0x27: {  	s1 =	sld [smem:$0x3FA7]  }
0x28: {  	s2 =	sld [smem:$0x3FA8]  }
0x29: {  	s4 =	sld [smem:$0x3FAA]  }
0x2a: {  	p0 =	seq.s32 s5, $0x0;
	s5 =	sld [smem:$0x3FAB]  }
0x2b: {  	s6 =	sld [smem:$0x3FAC]  }
0x2c: {  	s7 =	sld [smem:$0x3FAD]  }
0x2d: {  	s3 =	simm.s32 $0x108;
	s8 =	sld [smem:$0x3FAE]  }
0x2e: {  	s3 =	simm.s32 @!p0 $0x1082;
	s9 =	sld [smem:$0x3FAF]  }
0x2f: {  	lr =	sadd.s32 s0, s3;
	s0 =	sld [smem:$0x3FA6]  }
0x30: {  	s3 =	sld [smem:$0x3FA9]  }
0x31: {  	[smem:$0x3FB2] =	sst s10  }
0x32: {  	s10 =	sld [smem:$0x3FB0];
	_ =	sdelay $0x3  }
0x33: {  	p0 =	seq.s32 s10, $0x1;
	s10 =	sld [smem:$0x3FB2];
	_ =	sdelay $0x3  }
0x34: {  	[smem:$0x3FB2] =	sst s10  }
0x35: {  	s10 =	sld [smem:$0x3FB1];
	_ =	sdelay $0x3  }
0x36: {  	p1 =	seq.s32 s10, $0x1;
	s10 =	sld [smem:$0x3FB2];
	_ =	sdelay $0x3  }
0x37: {  	[smem:$0x3FB2] =	sst s10  }
0x38: {  	s10 =	sld [smem:$0x3FB3]  }
0x39: {  	_ = 	snop;
	(pc) =	sbr.ind lr, $3  }
0x3a: {  	_ = 	snop  }
0x3b: {  	_ = 	snop  }
0x3c: {  	p2 =	seq.s32 s10, $0x1;
	s10 =	sld [smem:$0x3FB2]  }
0x3d: {  	_ =	shalt  }
0x3e: {  	_ =	shalt  }
0x3f: {  	_ =	shalt  }
0x40: {  	_ =	shalt  }
0x41: {  	_ =	shalt  }
0x42: {  	_ =	shalt  }
0x43: {  	_ =	shalt  }
0x44: {  	_ =	shalt  }
0x45: {  	_ =	shalt  }
0x46: {  	_ =	shalt  }
0x47: {  	_ =	shalt  }
0x48: {  	_ =	shalt  }
0x49: {  	_ =	shalt  }
0x4a: {  	_ =	shalt  }
0x4b: {  	_ =	shalt  }
0x4c: {  	_ =	shalt  }
0x4d: {  	_ =	shalt  }
0x4e: {  	_ =	shalt  }
0x4f: {  	_ =	shalt  }
0x50: {  	_ =	shalt  }
0x51: {  	_ =	shalt  }
0x52: {  	_ =	shalt  }
0x53: {  	_ =	shalt  }
0x54: {  	_ =	shalt  }
0x55: {  	_ =	shalt  }
0x56: {  	_ =	shalt  }
0x57: {  	_ =	shalt  }
0x58: {  	_ =	shalt  }
0x59: {  	_ =	shalt  }
0x5a: {  	_ =	shalt  }
0x5b: {  	_ =	shalt  }
0x5c: {  	_ =	shalt  }
0x5d: {  	_ =	shalt  }
0x5e: {  	_ =	shalt  }
0x5f: {  	_ =	shalt  }
0x60: {  	_ =	shalt  }
0x61: {  	_ =	shalt  }
0x62: {  	_ =	shalt  }
0x63: {  	_ =	shalt  }
0x64: {  	_ =	shalt  }
0x65: {  	_ =	shalt  }
0x66: {  	_ =	shalt  }
0x67: {  	_ =	shalt  }
0x68: {  	_ =	shalt  }
0x69: {  	_ =	shalt  }
0x6a: {  	_ =	shalt  }
0x6b: {  	_ =	shalt  }
0x6c: {  	_ =	shalt  }
0x6d: {  	_ =	shalt  }
0x6e: {  	_ =	shalt  }
0x6f: {  	_ =	shalt  }
0x70: {  	_ =	shalt  }
0x71: {  	_ =	shalt  }
0x72: {  	_ =	shalt  }
0x73: {  	_ =	shalt  }
0x74: {  	_ =	shalt  }
0x75: {  	_ =	shalt  }
0x76: {  	_ =	shalt  }
0x77: {  	_ =	shalt  }
0x78: {  	_ =	shalt  }
0x79: {  	_ =	shalt  }
0x7a: {  	_ =	shalt  }
0x7b: {  	_ =	shalt  }
0x7c: {  	_ =	shalt  }
0x7d: {  	_ =	shalt  }
0x7e: {  	_ =	shalt  }
0x7f: {  	_ =	shalt  }
0x80: {  	_ =	shalt  }
0x81: {  	_ =	shalt  }
0x82: {  	_ =	shalt  }
0x83: {  	_ =	shalt  }
0x84: {  	_ =	shalt  }
0x85: {  	_ =	shalt  }
0x86: {  	_ =	shalt  }
0x87: {  	_ =	shalt  }
.Lfunc_end0:
.L_simem_size_0:
called_computation.2_lowered:
.L_overlay_start_0:
0x88: {  	s2 =	sld [smem:$0x3FD9]  }
0x89: {  	s3 =	sld [smem:$0x3FFE];
	_ =	sdelay $0x1  }
0x8a: {  	s1 =	srdreg.scid  }
0x8b: {  	s0 =	sand.u32 $0x1, s1  }
0x8c: {  	s16 =	sshll.u32 s0, $0xA;
	s2 =	sadd.s32 s3, s2  }
0x8d: {  	s2 =	sadd.s32 s2, s16  }
0x8e: {  	[smem:$0x3FBE] =	sst s2  }
0x8f: {  	_ = 	snop  }
0x90: {  	(tm) =	ssettm $0x1  }
0x91: {  	s17 =	sld [smem:$0x3FFB];
	_ =	sdelay $0x3  }
0x92: {  	_ =	strace s17  }
0x93: {  	s2 =	sld [smem:$0x3FFC];
	_ =	sdelay $0x3  }
0x94: {  	_ =	strace s2  }
0x95: {  	s2 =	sld [smem:$0x3FFD];
	_ =	sdelay $0x3  }
0x96: {  	_ =	strace s2  }
0x97: {  	_ =	strace $0x8FFFFFFF  }
0x98: {  	s18 =	sld [smem:$0x3FDB];
	_ =	sdelay $0x1  }
0x99: {  	s19 =	simm.s32 $_scs_section_size  }
0x9a: {  	s4 =	simm.s32 $_size__tile_overlayer_lowered;
	s5 =	simm.s32 $_tile_overlayer_lowered  }
0x9b: {  	s22 =	simm.s32 $0x1BFF;
	s21 =	sshll.u32 s5, $0x1;
	s2 =	sadd.s32 s19, s18  }
0x9c: {  	s6 =	simm.s32 $0x0;
	s20 =	sshll.u32 s4, $0x1;
	s4 =	sadd.s32 s21, s2  }
0x9d: {  	[timem:s6], [sflag:s22] =	dma.local [hbm:s4], s20  }
0x9e: {  	_ =	swait.ge [sflag:s22], s20  }
0x9f: {  	s3 =	ssub.s32 $0x0, s20;
	[sflag:s22] =	ssyncset.done $0x0  }
0xa0: {  	[sflag:s22] =	ssyncadd.s32 s3;
	_ =	sdelay $0x1  }
0xa1: {  	s23 =	simm.s32 $0x1B8B  }
0xa2: {  	_ =	swait.ge [sflag:s23], $0x1  }
0xa3: {  	[sflag:s23] =	ssyncset.done $0x0  }
0xa4: {  	s25 =	simm.s32 $0x1B8E;
	s24 =	sld [smem:$0x3FFE];
	[sflag:s23] =	ssyncadd.s32 $0xFFFFFFFF  }
0xa5: {  	s26 =	simm.s32 $execute0_lowered;
	[smem:$0x3FD2] =	sst s25  }
0xa6: {  	s4 =	sshll.u32 s26, $0x1;
	_ =	strace $0x8000004C;
	[dreg:$0x1] =	wrdreg $0xFFFFFFFF  }
0xa7: {  	s28 =	simm.s32 $_size_execute0_lowered;
	s2 =	sadd.s32 s2, s4;
	[dreg:$0x0] =	wrdreg $0x0  }
0xa8: {  	s4 =	sshll.u32 s28, $0x1;
	[dreg:$0x2] =	wrdreg s2  }
0xa9: {  	[dreg:$0x3] =	wrdreg s4  }
0xaa: {  	[dreg:$0x4] =	wrdreg $0xC0  }
0xab: {  	_ =	task [dreg:s6], $0x5FFFF  }
0xac: {  	[dreg:$0x1] =	wrdreg $0xFFFFFFFF  }
0xad: {  	[dreg:$0x0] =	wrdreg $0x60  }
0xae: {  	[dreg:$0x2] =	wrdreg s24  }
0xaf: {  	[dreg:$0x3] =	wrdreg $0x82000  }
0xb0: {  	[dreg:$0x4] =	wrdreg $0x9  }
0xb1: {  	_ =	task.clear_ibuf [dreg:s6], $0x5FFFF;
	_ =	strace $0x9000004C  }
0xb2: {  	s29 =	simm.s32 $0x9;
	_ =	strace $0x8000004E  }
0xb3: {  	_ =	swait.ge [sflag:s29], $0x1  }
0xb4: {  	[sflag:s29] =	ssyncadd.s32 $0xFFFFFFFF  }
0xb5: {  	_ =	strace $0x9000004E  }
0xb6: {  	_ =	sfence  }
0xb7: {  	s30 =	sld [smem:$0x0];
	_ =	sdelay $0x2  }
0xb8: {  	s31 =	sshll.u32 s1, $0xD;
	s1 =	sshrl.u32 s1, $0x2  }
0xb9: {  	s3 =	sand.u32 $0x4000, s31;
	s1 =	sadd.s32 s1, s30  }
0xba: {  	s0 =	sor.u32 s3, s0;
	s1 =	sshll.u32 s1, $0x11  }
0xbb: {  	s0 =	sor.u32 s1, s0  }
0xbc: {  	s0 =	sadd.s32 $0x8F2B, s0  }
0xbd: {  	[sflag:s0] =	ssyncadd.remote.s32 $0x1  }
0xbe: {  	_ =	sfence.sel $0xFFFF  }
0xbf: {  	[dreg:$0x0] =	wrdreg $0xFFFFFFFF;
	(pc) =	sbr.abs _section_cstart, $3  }
0xc0: {  	[dreg:$0x1] =	wrdreg $0xFFFFFFFF  }
0xc1: {  	_ =	task.clear_ibuf [dreg:s6], $0x2FFFF;
	_ =	strace $0x9FFFFFFF  }
0xc2: {  	(tm) =	ssettm $0x7FFFFFFF  }
0xc3: {  	_ =	shalt  }
tec
execute0_lowered:
.L_overlay_start_1:
0x0: {  	(tag) =	ssettag $0x1  }
0x1: {  	s8 =	rddreg [dreg:$0x0]  }
0x2: {  	s1 =	rddreg [dreg:$0x1];
	s2 =	simm.s32 $0x0;
	s3 =	srdreg.scid  }
0x3: {  	s0 =	stileid.u32;
	s20 =	simm.s32 $0x180;
	s28 =	simm.s32 $0x0  }
0x4: {  	[smem:$0x7FF] =	sst s2;
	s9 =	sand.u32 $0x1, s3;
	s11 =	smul.u32 $0x14000, s0  }
0x5: {  	s4 =	sadd.s32 $0x10E00, s8;
	s5 =	sadd.s32 $0x60E00, s8;
	s13 =	smul.u32 $0x50000, s0  }
0x6: {  	s6 =	sadd.s32 $0x4600, s8;
	s21 =	sadd.s32 $0xE600, s8;
	s15 =	smul.u32 $0xA0, s0  }
0x7: {  	s25 =	sshll.u32 s0, $0x6;
	_ =	strace $0x8000004D;
	s10 =	smul.u32 $0x140000, s9  }
0x8: {  	[dreg:$0x4] =	wrdreg s21;
	s12 =	smul.u32 $0xA00, s9;
	s22 =	ssub.s32 $0x2, s9  }
0x9: {  	s26 =	smul.u32 $0xA000, s9;
	s9 =	sor.u32 $0x1C05, s25;
	s21 =	simm.s32 $0x1  }
0xa: {  	s25 =	simm.s32 $0x3;
	s14 =	sshrl.u32 s22, $0x1;
	s23 =	sshrl.u32 s13, $0x2  }
0xb: {  	s10 =	sadd.s32 s11, s10;
	s17 =	ssub.s32 s22, s14;
	s24 =	sadd.s32 s15, s12  }
0xc: {  	s18 =	sadd.s32 s23, s1;
	s22 =	simm.s32 $0x200;
	s23 =	simm.s32 $0x2  }
0xd: {  	s10 =	sshrl.u32 s10, $0x3;
	s15 =	smax.u32 s17, $0x1;
	s17 =	simm.s32 $0x5  }
0xe: {  	s16 =	sadd.s32 s10, s8;
	s8 =	smul.u32 $0xA00, s0;
	s10 =	sshll.u32 s24, $0x4  }
0xf: {  	s24 =	simm.s32 $0x4200;
	s10 =	sadd.s32 s5, s10;
	s31 =	sadd.s32 $0x74E00, s16  }
0x10: {  	s16 =	sshrl.u32 s18, $0x3;
	s29 =	sadd.s32 $0x10, s10;
	[dreg:$0x7] =	wrdreg s31  }
0x11: {  	s11 =	sadd.s32 s6, s8;
	s19 =	sadd.s32 s8, s26;
	[dreg:$0x5] =	wrdreg s29  }
0x12: {  	s18 =	simm.s32 $0x100;
	s30 =	sadd.s32 $0x10, s11;
	[dreg:$0x3] =	wrdreg s19  }
0x13: {  	s26 =	simm.s32 $0x4;
	s19 =	simm.s32 $0x80;
	[dreg:$0x6] =	wrdreg s30  }
.LBB2_1:
0x14: {  	s0 =	rddreg [dreg:$0x4]  }
0x15: {  	[spmem:s16], [sflag:s9] =	dma.local [hbm:s0], $0x2800  }
0x16: {  	_ =	swait.ge [sflag:s17], $0x2800  }
0x17: {  	[sflag:s17] =	ssyncset.done $0x0  }
0x18: {  	[sflag:s17] =	ssyncadd.s32 $0xFFFFD800  }
0x19: {  	[tilespmem:s2], [sflag:$0x1] =	stream.linear.gather [hbm4b:s10+s2], $0x80, $0x38;
	[tilespmem:$0x1C200] =	vst v63  }
0x1a: {  	_ = 	snop  }
0x1b: {  	[tilespmem:s18], [sflag:$0x1] =	stream.linear.gather [hbm4b:s11+s2], $0x80, $0x38;
	[tilespmem:$0x1C200] =	vst v63  }
0x1c: {  	s31 =	rddreg [dreg:$0x5]  }
0x1d: {  	[tilespmem:s19], [sflag:$0x2] =	stream.linear.gather [hbm4b:s31+s2], $0x80, $0x38;
	[tilespmem:$0x1C200] =	vst v63  }
0x1e: {  	s3 =	rddreg [dreg:$0x6]  }
0x1f: {  	[tilespmem:s20], [sflag:$0x2] =	stream.linear.gather [hbm4b:s3+s2], $0x80, $0x38;
	[tilespmem:$0x1C200] =	vst v63  }
0x20: {  	_ =	swait.ge [sflag:s21], $0x80  }
0x21: {  	[sflag:s21] =	ssyncset.done $0x0  }
0x22: {  	[sflag:s21] =	ssyncadd.s32 $0xFFFFFF80  }
0x23: {  	_ =	swait.ge [sflag:s21], $0x80  }
0x24: {  	[sflag:s21] =	ssyncset.done $0x0  }
0x25: {  	[sflag:s21] =	ssyncadd.s32 $0xFFFFFF80  }
0x26: {  	[tilespmem:s22], [sflag:$0x3] =	stream.indirect.gather [hbm4b:s4+s19], $0x80, s2, s19, $0xb8;
	[tilespmem:$0x1C200] =	vst v63  }
0x27: {  	[bflag:$0x0] =	sbarrier.arrive $0xFFFF  }
0x28: {  	_ =	swait.ge [sflag:s23], $0x80  }
0x29: {  	[sflag:s23] =	ssyncset.done $0x0  }
0x2a: {  	[sflag:s23] =	ssyncadd.s32 $0xFFFFFF80  }
0x2b: {  	_ =	swait.ge [sflag:s23], $0x80  }
0x2c: {  	[sflag:s23] =	ssyncset.done $0x0  }
0x2d: {  	[sflag:s23] =	ssyncadd.s32 $0xFFFFFF80  }
0x2e: {  	[tilespmem:s24], [sflag:$0x4] =	stream.indirect.gather [hbm4b:s4+s19], $0x80, s19, s19, $0xb8;
	[tilespmem:$0x1C200] =	vst v63  }
0x2f: {  	_ =	swait.ge [sflag:s25], $0x4000  }
0x30: {  	[sflag:s25] =	ssyncset.done $0x0  }
0x31: {  	[sflag:s25] =	ssyncadd.s32 $0xFFFFC000  }
0x32: {  	[spmem:s1] =	stream.indirect.scatter.add.f32 [tilespmem:s22], [sflag:$0x5], $0x80, s18, s19, $0xb8;
	[tilespmem:$0x1C200] =	vst v63  }
0x33: {  	_ =	swait.ge [sflag:s17], $0x4000  }
0x34: {  	s29 =	rddreg [dreg:$0x3]  }
0x35: {  	s30 =	simm.s32 $0x20;
	s29 =	sadd.s32 $0x30, s29  }
0x36: {  	s12 =	sadd.s32 $0x30, s8;
	s30 =	sand.u32 $0x60, s30;
	s31 =	sadd.s32 $0xFFFFFFF0, s29  }
0x37: {  	s7 =	sadd.s32 s5, s30;
	[sflag:s17] =	ssyncset.done $0x0;
	s31 =	sand.u32 $0x3FF80, s31  }
0x38: {  	s13 =	sadd.s32 $0xFFFFFFF0, s12;
	[sflag:s17] =	ssyncadd.s32 $0xFFFFC000;
	s0 =	sadd.s32 s31, s7  }
0x39: {  	[tilespmem:s2], [sflag:$0x1] =	stream.linear.gather [hbm4b:s0+s2], $0x80, $0x38;
	[tilespmem:$0x1C200] =	vst v63  }
0x3a: {  	s30 =	sadd.s32 s6, s30;
	s0 =	sand.u32 $0x1FF80, s13  }
0x3b: {  	s0 =	sadd.s32 s0, s30  }
0x3c: {  	[tilespmem:s18], [sflag:$0x1] =	stream.linear.gather [hbm4b:s0+s2], $0x80, $0x38;
	[tilespmem:$0x1C200] =	vst v63  }
0x3d: {  	_ =	swait.ge [sflag:s21], $0x80  }
0x3e: {  	[sflag:s21] =	ssyncset.done $0x0  }
0x3f: {  	[sflag:s21] =	ssyncadd.s32 $0xFFFFFF80  }
0x40: {  	_ =	swait.ge [sflag:s21], $0x80  }
0x41: {  	[sflag:s21] =	ssyncset.done $0x0  }
0x42: {  	[sflag:s21] =	ssyncadd.s32 $0xFFFFFF80  }
0x43: {  	[tilespmem:s22], [sflag:$0x3] =	stream.indirect.gather [hbm4b:s4+s19], $0x80, s2, s19, $0xb8;
	[tilespmem:$0x1C200] =	vst v63  }
0x44: {  	_ =	swait.ge [sflag:s26], $0x4000  }
0x45: {  	[sflag:s26] =	ssyncset.done $0x0  }
0x46: {  	s14 =	simm.s32 $0x30;
	[sflag:s26] =	ssyncadd.s32 $0xFFFFC000  }
0x47: {  	[spmem:s1] =	stream.indirect.scatter.add.f32 [tilespmem:s24], [sflag:$0x5], $0x80, s20, s19, $0xb8;
	[tilespmem:$0x1C200] =	vst v63  }
0x48: {  	s0 =	sand.u32 $0x70, s14;
	_ =	swait.ge [sflag:s17], $0x4000  }
0x49: {  	s29 =	sand.u32 $0x3FF80, s29;
	s30 =	sadd.s32 s5, s0;
	[sflag:s17] =	ssyncset.done $0x0  }
0x4a: {  	s29 =	sadd.s32 s29, s30;
	[sflag:s17] =	ssyncadd.s32 $0xFFFFC000  }
0x4b: {  	[tilespmem:s19], [sflag:$0x2] =	stream.linear.gather [hbm4b:s29+s2], $0x80, $0x38;
	[tilespmem:$0x1C200] =	vst v63  }
0x4c: {  	s0 =	sadd.s32 s6, s0;
	s29 =	sand.u32 $0x1FF80, s12  }
0x4d: {  	s0 =	sadd.s32 s29, s0  }
0x4e: {  	[tilespmem:s20], [sflag:$0x2] =	stream.linear.gather [hbm4b:s0+s2], $0x80, $0x38;
	[tilespmem:$0x1C200] =	vst v63  }
0x4f: {  	_ =	swait.ge [sflag:s23], $0x80  }
0x50: {  	[sflag:s23] =	ssyncset.done $0x0  }
0x51: {  	[sflag:s23] =	ssyncadd.s32 $0xFFFFFF80  }
0x52: {  	_ =	swait.ge [sflag:s23], $0x80  }
0x53: {  	[sflag:s23] =	ssyncset.done $0x0  }
0x54: {  	[sflag:s23] =	ssyncadd.s32 $0xFFFFFF80  }
0x55: {  	[tilespmem:s24], [sflag:$0x4] =	stream.indirect.gather [hbm4b:s4+s19], $0x80, s19, s19, $0xb8;
	[tilespmem:$0x1C200] =	vst v63  }
0x56: {  	_ =	swait.ge [sflag:s25], $0x4000  }
0x57: {  	[sflag:s25] =	ssyncset.done $0x0  }
0x58: {  	[sflag:s25] =	ssyncadd.s32 $0xFFFFC000  }
0x59: {  	[spmem:s1] =	stream.indirect.scatter.add.f32 [tilespmem:s22], [sflag:$0x5], $0x80, s18, s19, $0xb8;
	[tilespmem:$0x1C200] =	vst v63  }
0x5a: {  	s30 =	simm.s32 $0x70;
	s29 =	simm.s32 $0x50;
	_ =	swait.ge [sflag:s17], $0x4000  }
.LBB2_2:
0x5b: {  	s0 =	rddreg [dreg:$0x3];
	[sflag:s17] =	ssyncset.done $0x0  }
0x5c: {  	s3 =	sadd.s32 $0xFFFFFFF0, s29;
	s13 =	sadd.s32 s29, s8;
	s0 =	sadd.s32 s29, s0  }
0x5d: {  	[sflag:s17] =	ssyncadd.s32 $0xFFFFC000;
	s3 =	sand.u32 $0x60, s3;
	s7 =	sadd.s32 $0xFFFFFFF0, s0  }
0x5e: {  	s14 =	sadd.s32 $0xFFFFFFF0, s13;
	s12 =	sadd.s32 s5, s3;
	s7 =	sand.u32 $0x3FF80, s7  }
0x5f: {  	s14 =	sand.u32 $0x1FF80, s14;
	s3 =	sadd.s32 s6, s3;
	s7 =	sadd.s32 s7, s12  }
0x60: {  	[tilespmem:s2], [sflag:$0x1] =	stream.linear.gather [hbm4b:s7+s2], $0x80, $0x38;
	[tilespmem:$0x1C200] =	vst v63  }
0x61: {  	s3 =	sadd.s32 s14, s3  }
0x62: {  	[tilespmem:s18], [sflag:$0x1] =	stream.linear.gather [hbm4b:s3+s2], $0x80, $0x38;
	[tilespmem:$0x1C200] =	vst v63  }
0x63: {  	_ =	swait.ge [sflag:s21], $0x80  }
0x64: {  	[sflag:s21] =	ssyncset.done $0x0  }
0x65: {  	[sflag:s21] =	ssyncadd.s32 $0xFFFFFF80  }
0x66: {  	_ =	swait.ge [sflag:s21], $0x80  }
0x67: {  	[sflag:s21] =	ssyncset.done $0x0  }
0x68: {  	[sflag:s21] =	ssyncadd.s32 $0xFFFFFF80  }
0x69: {  	[tilespmem:s22], [sflag:$0x3] =	stream.indirect.gather [hbm4b:s4+s19], $0x80, s2, s19, $0xb8;
	[tilespmem:$0x1C200] =	vst v63  }
0x6a: {  	_ =	swait.ge [sflag:s26], $0x4000  }
0x6b: {  	[sflag:s26] =	ssyncset.done $0x0  }
0x6c: {  	s31 =	smov.u32 s30;
	s13 =	sand.u32 $0x1FF80, s13;
	[sflag:s26] =	ssyncadd.s32 $0xFFFFC000  }
0x6d: {  	[spmem:s1] =	stream.indirect.scatter.add.f32 [tilespmem:s24], [sflag:$0x5], $0x80, s20, s19, $0xb8;
	[tilespmem:$0x1C200] =	vst v63  }
0x6e: {  	s0 =	sand.u32 $0x3FF80, s0;
	s14 =	sand.u32 $0x70, s29;
	_ =	swait.ge [sflag:s17], $0x4000  }
0x6f: {  	s29 =	smov.u32 s31;
	s31 =	sadd.s32 s5, s14;
	[sflag:s17] =	ssyncset.done $0x0  }
0x70: {  	s0 =	sadd.s32 s0, s31;
	s3 =	sadd.s32 s6, s14;
	[sflag:s17] =	ssyncadd.s32 $0xFFFFC000  }
0x71: {  	[tilespmem:s19], [sflag:$0x2] =	stream.linear.gather [hbm4b:s0+s2], $0x80, $0x38;
	[tilespmem:$0x1C200] =	vst v63  }
0x72: {  	s3 =	sadd.s32 s13, s3  }
0x73: {  	[tilespmem:s20], [sflag:$0x2] =	stream.linear.gather [hbm4b:s3+s2], $0x80, $0x38;
	[tilespmem:$0x1C200] =	vst v63  }
0x74: {  	_ =	swait.ge [sflag:s23], $0x80  }
0x75: {  	[sflag:s23] =	ssyncset.done $0x0  }
0x76: {  	[sflag:s23] =	ssyncadd.s32 $0xFFFFFF80  }
0x77: {  	_ =	swait.ge [sflag:s23], $0x80  }
0x78: {  	[sflag:s23] =	ssyncset.done $0x0  }
0x79: {  	p0 =	sne.s32 s30, $0x9F0;
	[sflag:s23] =	ssyncadd.s32 $0xFFFFFF80  }
0x7a: {  	[tilespmem:s24], [sflag:$0x4] =	stream.indirect.gather [hbm4b:s4+s19], $0x80, s19, s19, $0xb8;
	[tilespmem:$0x1C200] =	vst v63  }
.Ltmp0:
0x7b: {  	_ =	swait.ge [sflag:s25], $0x4000;
	(pc) =	sbr.rel @p0 .LBB2_2-.Ltmp0, $4  }
0x7c: {  	[sflag:s25] =	ssyncset.done $0x0  }
0x7d: {  	[sflag:s25] =	ssyncadd.s32 $0xFFFFC000  }
0x7e: {  	[spmem:s1] =	stream.indirect.scatter.add.f32 [tilespmem:s22], [sflag:$0x5], $0x80, s18, s19, $0xb8;
	[tilespmem:$0x1C200] =	vst v63  }
0x7f: {  	s30 =	sadd.s32 $0x20, s30;
	_ =	swait.ge [sflag:s17], $0x4000  }
0x80: {  	s0 =	rddreg [dreg:$0x3]  }
0x81: {  	s3 =	sadd.s32 $0xFFFFFFF0, s29;
	s0 =	sadd.s32 s29, s0  }
0x82: {  	[sflag:s17] =	ssyncset.done $0x0;
	s3 =	sand.u32 $0x60, s3;
	s7 =	sadd.s32 $0xFFFFFFF0, s0  }
0x83: {  	s31 =	sadd.s32 s29, s8;
	s12 =	sadd.s32 s5, s3;
	s7 =	sand.u32 $0x3FF80, s7  }
0x84: {  	[sflag:s17] =	ssyncadd.s32 $0xFFFFC000;
	s13 =	sadd.s32 $0xFFFFFFF0, s31;
	s7 =	sadd.s32 s7, s12  }
0x85: {  	[tilespmem:s2], [sflag:$0x1] =	stream.linear.gather [hbm4b:s7+s2], $0x80, $0x38;
	[tilespmem:$0x1C200] =	vst v63  }
0x86: {  	s3 =	sadd.s32 s6, s3;
	s7 =	sand.u32 $0x1FF80, s13  }
0x87: {  	s3 =	sadd.s32 s7, s3  }
0x88: {  	[tilespmem:s18], [sflag:$0x1] =	stream.linear.gather [hbm4b:s3+s2], $0x80, $0x38;
	[tilespmem:$0x1C200] =	vst v63  }
0x89: {  	_ =	swait.ge [sflag:s21], $0x80  }
0x8a: {  	[sflag:s21] =	ssyncset.done $0x0  }
0x8b: {  	[sflag:s21] =	ssyncadd.s32 $0xFFFFFF80  }
0x8c: {  	_ =	swait.ge [sflag:s21], $0x80  }
0x8d: {  	[sflag:s21] =	ssyncset.done $0x0  }
0x8e: {  	[sflag:s21] =	ssyncadd.s32 $0xFFFFFF80  }
0x8f: {  	[tilespmem:s22], [sflag:$0x3] =	stream.indirect.gather [hbm4b:s4+s19], $0x80, s2, s19, $0xb8;
	[tilespmem:$0x1C200] =	vst v63  }
0x90: {  	_ =	swait.ge [sflag:s26], $0x4000  }
0x91: {  	[sflag:s26] =	ssyncset.done $0x0  }
0x92: {  	s14 =	sand.u32 $0x70, s29;
	[sflag:s26] =	ssyncadd.s32 $0xFFFFC000  }
0x93: {  	[spmem:s1] =	stream.indirect.scatter.add.f32 [tilespmem:s24], [sflag:$0x5], $0x80, s20, s19, $0xb8;
	[tilespmem:$0x1C200] =	vst v63  }
0x94: {  	s29 =	sadd.s32 s5, s14;
	_ =	swait.ge [sflag:s17], $0x4000  }
0x95: {  	s30 =	sand.u32 $0x1FF80, s31;
	s0 =	sand.u32 $0x3FF80, s0;
	[sflag:s17] =	ssyncset.done $0x0  }
0x96: {  	s0 =	sadd.s32 s0, s29;
	s3 =	sadd.s32 s6, s14;
	[sflag:s17] =	ssyncadd.s32 $0xFFFFC000  }
0x97: {  	[tilespmem:s19], [sflag:$0x2] =	stream.linear.gather [hbm4b:s0+s2], $0x80, $0x38;
	[tilespmem:$0x1C200] =	vst v63  }
0x98: {  	s0 =	sadd.s32 s30, s3  }
0x99: {  	[tilespmem:s20], [sflag:$0x2] =	stream.linear.gather [hbm4b:s0+s2], $0x80, $0x38;
	[tilespmem:$0x1C200] =	vst v63  }
0x9a: {  	_ =	swait.ge [sflag:s23], $0x80  }
0x9b: {  	[sflag:s23] =	ssyncset.done $0x0  }
0x9c: {  	[sflag:s23] =	ssyncadd.s32 $0xFFFFFF80  }
0x9d: {  	_ =	swait.ge [sflag:s23], $0x80  }
0x9e: {  	[sflag:s23] =	ssyncset.done $0x0  }
0x9f: {  	[sflag:s23] =	ssyncadd.s32 $0xFFFFFF80  }
0xa0: {  	[tilespmem:s24], [sflag:$0x4] =	stream.indirect.gather [hbm4b:s4+s19], $0x80, s19, s19, $0xb8;
	[tilespmem:$0x1C200] =	vst v63  }
0xa1: {  	_ =	swait.ge [sflag:s25], $0x4000  }
0xa2: {  	[sflag:s25] =	ssyncset.done $0x0  }
0xa3: {  	[sflag:s25] =	ssyncadd.s32 $0xFFFFC000  }
0xa4: {  	[spmem:s1] =	stream.indirect.scatter.add.f32 [tilespmem:s22], [sflag:$0x5], $0x80, s18, s19, $0xb8;
	[tilespmem:$0x1C200] =	vst v63  }
0xa5: {  	_ =	swait.ge [sflag:s17], $0x4000  }
0xa6: {  	[sflag:s17] =	ssyncset.done $0x0  }
0xa7: {  	[sflag:s17] =	ssyncadd.s32 $0xFFFFC000  }
0xa8: {  	_ =	swait.ge [sflag:s26], $0x4000  }
0xa9: {  	[sflag:s26] =	ssyncset.done $0x0  }
0xaa: {  	[sflag:s26] =	ssyncadd.s32 $0xFFFFC000  }
0xab: {  	[spmem:s1] =	stream.indirect.scatter.add.f32 [tilespmem:s24], [sflag:$0x5], $0x80, s20, s19, $0xb8;
	[tilespmem:$0x1C200] =	vst v63  }
0xac: {  	_ =	swait.ge [sflag:s17], $0x4000  }
0xad: {  	[sflag:s17] =	ssyncset.done $0x0  }
0xae: {  	s28 =	sadd.s32 $0x1, s28;
	[sflag:s17] =	ssyncadd.s32 $0xFFFFC000  }
0xaf: {  	p0 =	sne.s32 s28, s15;
	[bflag:$0x0] =	sbarrier.arrive $0xFFFF  }
.Ltmp1:
0xb0: {  	s31 =	rddreg [dreg:$0x7];
	(pc) =	sbr.rel @p0 .LBB2_1-.Ltmp1, $4  }
0xb1: {  	[hbm:s31], [sflag:s9] =	dma.local [spmem:s16], $0x2800  }
0xb2: {  	_ =	swait.ge [sflag:s17], $0x2800  }
0xb3: {  	[sflag:s17] =	ssyncset.done $0x0  }
0xb4: {  	[sflag:s17] =	ssyncadd.s32 $0xFFFFD800  }
0xb5: {  	_ =	sfence.sel $0x180000  }
0xb6: {  	[bflag:$0x0] =	sbarrier.arrive $0xFFFF  }
0xb7: {  	_ =	strace $0x9000004D  }
0xb8: {  	s0 =	stileid.u32;
	[bflag:$0x2] =	sbarrier.arrive $0xFFFF  }
0xb9: {  	p0 =	sne.s32 s0, $0x0;
	s0 =	rddreg [dreg:$0x2]  }
0xba: {  	s0 =	sadd.s32 @!p0 $0x100000, s0  }
0xbb: {  	[sflag:s0] =	ssyncadd.tile.s32 @!p0 $0x1;
	_ =	shalt  }
.Lfunc_end2:
_tile_overlayer_lowered:
.L_overlay_start_2:
0xbc: {  	(tag) =	ssettag $0x2  }
0xbd: {  	s0 =	rddreg [dreg:$0x0];
	s2 =	stileid.u32  }
0xbe: {  	s1 =	rddreg [dreg:$0x1];
	p0 =	sne.s32 s2, $0x0  }
0xbf: {  	s3 =	rddreg [dreg:$0x2];
	[bflag:$0x3] =	sbarrier.arrive $0xFFFF;
	s2 =	simm.s32 @!p0 $0x1C05  }
0xc0: {  	[timem:s3], [sflag:s2] =	dma.local @!p0 [hbm:s0], s1  }
0xc1: {  	s0 =	simm.s32 @!p0 $0x5  }
0xc2: {  	_ =	swait.ge @!p0 [sflag:s0], s1  }
0xc3: {  	s1 =	ssub.s32 @!p0 $0x0, s1;
	[sflag:s0] =	ssyncset.done @!p0 $0x0  }
0xc4: {  	[sflag:s0] =	ssyncadd.s32 @!p0 s1  }
0xc5: {  	[bflag:$0x3] =	sbarrier.arrive $0xFFFF  }
0xc6: {  	_ =	shalt  }

// kernel: kernel.8.cloned.1.call-start
scs
__scs_entry_jumppad:
0x0: {  	(pc) =	sbr.rel $0x88, $3  }
0x1: {  	(tag) =	ssettag $0x0;
	lr =	simm.s32 $0x1  }
0x2: {  	[smem:$0x3F97] =	sst lr;
	_ =	strace $0xD0000000  }
0x3: {  	_ = 	snop  }
0x4: {  	_ = 	snop  }
0x5: {  	_ = 	snop  }
0x6: {  	_ = 	snop  }
0x7: {  	_ = 	snop  }
__scs_overlays_trampoline_lowered:
0x8: {  	[smem:$0x3FA6] =	sst s0  }
0x9: {  	[smem:$0x3FA7] =	sst s1  }
0xa: {  	[smem:$0x3FA8] =	sst s2  }
0xb: {  	[smem:$0x3FA9] =	sst s3  }
0xc: {  	[smem:$0x3FAA] =	sst s4  }
0xd: {  	[smem:$0x3FAB] =	sst s5  }
0xe: {  	[smem:$0x3FAC] =	sst s6  }
0xf: {  	[smem:$0x3FAD] =	sst s7  }
0x10: {  	[smem:$0x3FAE] =	sst s8  }
0x11: {  	[smem:$0x3FAF] =	sst s9;
	s0 =	simm.s32 @!p0 $0x0  }
0x12: {  	s1 =	sld [smem:$0x3F95];
	s0 =	simm.s32 @p0 $0x1  }
0x13: {  	[smem:$0x3FB0] =	sst s0;
	s0 =	simm.s32 @!p1 $0x0  }
0x14: {  	s2 =	sld [smem:$0x3F94];
	s0 =	simm.s32 @p1 $0x1  }
0x15: {  	[smem:$0x3FB1] =	sst s0;
	s0 =	simm.s32 @!p2 $0x0  }
0x16: {  	s3 =	sld [smem:$0x3FDB];
	s0 =	simm.s32 @p2 $0x1  }
0x17: {  	s4 =	simm.s32 $0x1BF5;
	[smem:$0x3FB3] =	sst s0  }
0x18: {  	s0 =	sld [smem:$0x3F96];
	_ =	swait.ge [sflag:s4], $0x0  }
0x19: {  	s7 =	sld [smem:$0x3F97]  }
0x1a: {  	s8 =	sadd.s32 $0xFFFFE003, lr  }
0x1b: {  	s9 =	sadd.s32 $0xFFFFFEF7, lr;
	s5 =	simm.s32 $0xFFFFFFFF;
	p2 =	slt.u32 s8, $0xFFFFF086  }
0x1c: {  	p1 =	slt.u32 s9, $0xF7A;
	s5 =	simm.s32 @!p2 $0x0  }
0x1d: {  	s5 =	simm.s32 @p1 $0x1;
	p0 =	seq.s32 s7, s2  }
0x1e: {  	s7 =	smul.u32 @!p0 $0xF7A, s2;
	p2 =	seq.s32 @!p0 s5, $0x0  }
0x1f: {  	s9 =	smul.u32 $0xF7A, s1;
	s8 =	simm.s32 @!p0 $0x1BF5;
	p2 =	por !p2, p0  }
0x20: {  	[sflag:s8] =	ssyncset.s32 @!p0 $0xFFFFF086;
	s6 =	sadd.s32 @!p0 s3, s7;
	s7 =	simm.s32 @!p0 $0x108  }
0x21: {  	s3 =	sadd.s32 s3, s9;
	s6 =	sadd.s32 @!p0 $0x88, s6;
	s7 =	simm.s32 @p2 $0x1082  }
0x22: {  	[simem:s7], [sflag:s8] =	dma.local @!p0 [hbm:s6], $0xF7A  }
0x23: {  	s9 =	sor.u32 $0xD0000000, s2;
	s6 =	simm.s32 $0x108;
	_ =	swait.ge @!p0 [sflag:s8], $0x0  }
0x24: {  	s3 =	sadd.s32 $0x88, s3;
	s6 =	simm.s32 @!p1 $0x1082;
	[sflag:s4] =	ssyncset.s32 $0xFFFFF086  }
0x25: {  	[simem:s6], [sflag:s4] =	dma.local [hbm:s3], $0xF7A  }
0x26: {  	[smem:$0x3F97] =	sst s1;
	(tag) =	ssettag s2;
	_ =	strace s9  }
0x27: {  	s1 =	sld [smem:$0x3FA7]  }
0x28: {  	s2 =	sld [smem:$0x3FA8]  }
0x29: {  	s4 =	sld [smem:$0x3FAA]  }
0x2a: {  	p0 =	seq.s32 s5, $0x0;
	s5 =	sld [smem:$0x3FAB]  }
0x2b: {  	s6 =	sld [smem:$0x3FAC]  }
0x2c: {  	s7 =	sld [smem:$0x3FAD]  }
0x2d: {  	s3 =	simm.s32 $0x108;
	s8 =	sld [smem:$0x3FAE]  }
0x2e: {  	s3 =	simm.s32 @!p0 $0x1082;
	s9 =	sld [smem:$0x3FAF]  }
0x2f: {  	lr =	sadd.s32 s0, s3;
	s0 =	sld [smem:$0x3FA6]  }
0x30: {  	s3 =	sld [smem:$0x3FA9]  }
0x31: {  	[smem:$0x3FB2] =	sst s10  }
0x32: {  	s10 =	sld [smem:$0x3FB0];
	_ =	sdelay $0x3  }
0x33: {  	p0 =	seq.s32 s10, $0x1;
	s10 =	sld [smem:$0x3FB2];
	_ =	sdelay $0x3  }
0x34: {  	[smem:$0x3FB2] =	sst s10  }
0x35: {  	s10 =	sld [smem:$0x3FB1];
	_ =	sdelay $0x3  }
0x36: {  	p1 =	seq.s32 s10, $0x1;
	s10 =	sld [smem:$0x3FB2];
	_ =	sdelay $0x3  }
0x37: {  	[smem:$0x3FB2] =	sst s10  }
0x38: {  	s10 =	sld [smem:$0x3FB3]  }
0x39: {  	_ = 	snop;
	(pc) =	sbr.ind lr, $3  }
0x3a: {  	_ = 	snop  }
0x3b: {  	_ = 	snop  }
0x3c: {  	p2 =	seq.s32 s10, $0x1;
	s10 =	sld [smem:$0x3FB2]  }
0x3d: {  	_ =	shalt  }
0x3e: {  	_ =	shalt  }
0x3f: {  	_ =	shalt  }
0x40: {  	_ =	shalt  }
0x41: {  	_ =	shalt  }
0x42: {  	_ =	shalt  }
0x43: {  	_ =	shalt  }
0x44: {  	_ =	shalt  }
0x45: {  	_ =	shalt  }
0x46: {  	_ =	shalt  }
0x47: {  	_ =	shalt  }
0x48: {  	_ =	shalt  }
0x49: {  	_ =	shalt  }
0x4a: {  	_ =	shalt  }
0x4b: {  	_ =	shalt  }
0x4c: {  	_ =	shalt  }
0x4d: {  	_ =	shalt  }
0x4e: {  	_ =	shalt  }
0x4f: {  	_ =	shalt  }
0x50: {  	_ =	shalt  }
0x51: {  	_ =	shalt  }
0x52: {  	_ =	shalt  }
0x53: {  	_ =	shalt  }
0x54: {  	_ =	shalt  }
0x55: {  	_ =	shalt  }
0x56: {  	_ =	shalt  }
0x57: {  	_ =	shalt  }
0x58: {  	_ =	shalt  }
0x59: {  	_ =	shalt  }
0x5a: {  	_ =	shalt  }
0x5b: {  	_ =	shalt  }
0x5c: {  	_ =	shalt  }
0x5d: {  	_ =	shalt  }
0x5e: {  	_ =	shalt  }
0x5f: {  	_ =	shalt  }
0x60: {  	_ =	shalt  }
0x61: {  	_ =	shalt  }
0x62: {  	_ =	shalt  }
0x63: {  	_ =	shalt  }
0x64: {  	_ =	shalt  }
0x65: {  	_ =	shalt  }
0x66: {  	_ =	shalt  }
0x67: {  	_ =	shalt  }
0x68: {  	_ =	shalt  }
0x69: {  	_ =	shalt  }
0x6a: {  	_ =	shalt  }
0x6b: {  	_ =	shalt  }
0x6c: {  	_ =	shalt  }
0x6d: {  	_ =	shalt  }
0x6e: {  	_ =	shalt  }
0x6f: {  	_ =	shalt  }
0x70: {  	_ =	shalt  }
0x71: {  	_ =	shalt  }
0x72: {  	_ =	shalt  }
0x73: {  	_ =	shalt  }
0x74: {  	_ =	shalt  }
0x75: {  	_ =	shalt  }
0x76: {  	_ =	shalt  }
0x77: {  	_ =	shalt  }
0x78: {  	_ =	shalt  }
0x79: {  	_ =	shalt  }
0x7a: {  	_ =	shalt  }
0x7b: {  	_ =	shalt  }
0x7c: {  	_ =	shalt  }
0x7d: {  	_ =	shalt  }
0x7e: {  	_ =	shalt  }
0x7f: {  	_ =	shalt  }
0x80: {  	_ =	shalt  }
0x81: {  	_ =	shalt  }
0x82: {  	_ =	shalt  }
0x83: {  	_ =	shalt  }
0x84: {  	_ =	shalt  }
0x85: {  	_ =	shalt  }
0x86: {  	_ =	shalt  }
0x87: {  	_ =	shalt  }
.Lfunc_end0:
.L_simem_size_0:
called_computation_lowered:
.L_overlay_start_0:
0x88: {  	s2 =	sld [smem:$0x3FD9]  }
0x89: {  	s3 =	sld [smem:$0x3FFE];
	_ =	sdelay $0x1  }
0x8a: {  	s1 =	srdreg.scid  }
0x8b: {  	s0 =	sand.u32 $0x1, s1  }
0x8c: {  	s17 =	sshll.u32 s0, $0xA;
	s2 =	sadd.s32 s3, s2  }
0x8d: {  	s2 =	sadd.s32 s2, s17  }
0x8e: {  	[smem:$0x3FBE] =	sst s2  }
0x8f: {  	_ = 	snop  }
0x90: {  	s2 =	sld [smem:$0x3FC9]  }
0x91: {  	s18 =	sld [smem:$0x3FD0];
	(tm) =	ssettm $0x1  }
0x92: {  	s4 =	sld [smem:$0x3FFB];
	_ =	sdelay $0x3  }
0x93: {  	_ =	strace s4  }
0x94: {  	s4 =	sld [smem:$0x3FFC];
	_ =	sdelay $0x3  }
0x95: {  	_ =	strace s4  }
0x96: {  	s4 =	sld [smem:$0x3FFD];
	_ =	sdelay $0x3  }
0x97: {  	_ =	strace s4  }
0x98: {  	_ =	strace $0x8FFFFFFF  }
0x99: {  	s19 =	sld [smem:$0x3FDB];
	_ =	sdelay $0x1  }
0x9a: {  	s5 =	simm.s32 $_scs_section_size  }
0x9b: {  	s6 =	simm.s32 $_size__tile_overlayer_lowered;
	s7 =	simm.s32 $_tile_overlayer_lowered  }
0x9c: {  	s22 =	simm.s32 $0x1BFF;
	s21 =	sshll.u32 s7, $0x1;
	s4 =	sadd.s32 s5, s19  }
0x9d: {  	s8 =	simm.s32 $0x0;
	s20 =	sshll.u32 s6, $0x1;
	s6 =	sadd.s32 s21, s4  }
0x9e: {  	[timem:s8], [sflag:s22] =	dma.local [hbm:s6], s20  }
0x9f: {  	_ =	swait.ge [sflag:s22], s20  }
0xa0: {  	s5 =	ssub.s32 $0x0, s20;
	[sflag:s22] =	ssyncset.done $0x0  }
0xa1: {  	[sflag:s22] =	ssyncadd.s32 s5;
	_ =	sdelay $0x1  }
0xa2: {  	s23 =	simm.s32 $0x1B8B  }
0xa3: {  	_ =	swait.ge [sflag:s23], $0x1  }
0xa4: {  	[sflag:s23] =	ssyncset.done $0x0  }
0xa5: {  	s25 =	simm.s32 $0x1B8E;
	s24 =	sld [smem:$0x3FFE];
	[sflag:s23] =	ssyncadd.s32 $0xFFFFFFFF  }
0xa6: {  	s26 =	simm.s32 $execute0_lowered;
	[smem:$0x3FD2] =	sst s25  }
0xa7: {  	s6 =	sshll.u32 s26, $0x1;
	_ =	strace $0x80000046;
	[dreg:$0x1] =	wrdreg $0xFFFFFFFF  }
0xa8: {  	s28 =	simm.s32 $_size_execute0_lowered;
	s4 =	sadd.s32 s4, s6;
	[dreg:$0x0] =	wrdreg $0x0  }
0xa9: {  	s6 =	sshll.u32 s28, $0x1;
	[dreg:$0x2] =	wrdreg s4  }
0xaa: {  	[dreg:$0x3] =	wrdreg s6  }
0xab: {  	[dreg:$0x4] =	wrdreg $0xC0  }
0xac: {  	_ =	task [dreg:s8], $0x5FFFF  }
0xad: {  	[dreg:$0x1] =	wrdreg $0xFFFFFFFF  }
0xae: {  	[dreg:$0x0] =	wrdreg $0x60  }
0xaf: {  	[dreg:$0x2] =	wrdreg s2  }
0xb0: {  	[dreg:$0x3] =	wrdreg s18  }
0xb1: {  	[dreg:$0x4] =	wrdreg s24  }
0xb2: {  	[dreg:$0x5] =	wrdreg $0x82000  }
0xb3: {  	[dreg:$0x6] =	wrdreg $0x9  }
0xb4: {  	_ =	task.clear_ibuf [dreg:s8], $0x7FFFF;
	_ =	strace $0x90000046  }
0xb5: {  	s29 =	simm.s32 $0x9;
	_ =	strace $0x80000048  }
0xb6: {  	_ =	swait.ge [sflag:s29], $0x1  }
0xb7: {  	[sflag:s29] =	ssyncadd.s32 $0xFFFFFFFF  }
0xb8: {  	_ =	strace $0x90000048  }
0xb9: {  	_ =	sfence  }
0xba: {  	s30 =	sld [smem:$0x0];
	_ =	sdelay $0x2  }
0xbb: {  	s31 =	sshll.u32 s1, $0xD;
	s1 =	sshrl.u32 s1, $0x2  }
0xbc: {  	s3 =	sand.u32 $0x4000, s31;
	s1 =	sadd.s32 s1, s30  }
0xbd: {  	s0 =	sor.u32 s3, s0;
	s1 =	sshll.u32 s1, $0x11  }
0xbe: {  	s0 =	sor.u32 s1, s0  }
0xbf: {  	s0 =	sadd.s32 $0x8F2B, s0  }
0xc0: {  	[sflag:s0] =	ssyncadd.remote.s32 $0x1  }
0xc1: {  	_ =	sfence.sel $0xFFFF  }
0xc2: {  	[dreg:$0x0] =	wrdreg $0xFFFFFFFF;
	(pc) =	sbr.abs _section_cstart, $3  }
0xc3: {  	[dreg:$0x1] =	wrdreg $0xFFFFFFFF  }
0xc4: {  	_ =	task.clear_ibuf [dreg:s8], $0x2FFFF;
	_ =	strace $0x9FFFFFFF  }
0xc5: {  	(tm) =	ssettm $0x7FFFFFFF  }
tec
execute0_lowered:
.L_overlay_start_1:
0x0: {  	(tag) =	ssettag $0x1  }
0x1: {  	s0 =	rddreg [dreg:$0x0]  }
0x2: {  	s1 =	rddreg [dreg:$0x1]  }
0x3: {  	s2 =	rddreg [dreg:$0x2];
	s3 =	srdreg.scid  }
0x4: {  	s4 =	rddreg [dreg:$0x3];
	s13 =	stileid.u32  }
0x5: {  	s5 =	simm.s32 $0x0;
	s17 =	simm.s32 $0x5;
	s18 =	simm.s32 $0x100  }
0x6: {  	s19 =	simm.s32 $0x80;
	s20 =	simm.s32 $0x180;
	s21 =	simm.s32 $0x1  }
0x7: {  	s22 =	simm.s32 $0x200;
	s23 =	simm.s32 $0x2;
	s24 =	simm.s32 $0x4200  }
0x8: {  	s28 =	simm.s32 $0x0;
	s3 =	sand.u32 $0x1, s3;
	s8 =	smul.u32 $0x14000, s13  }
0x9: {  	[smem:$0x7FF] =	sst s5;
	s6 =	sadd.s32 $0x4600, s2;
	s12 =	smul.u32 $0x50000, s13  }
0xa: {  	s25 =	sadd.s32 $0xE600, s2;
	s30 =	sshll.u32 s13, $0x6;
	s15 =	smul.u32 $0x500, s13  }
0xb: {  	s7 =	smul.u32 $0x140000, s3;
	_ =	strace $0x80000047;
	[dreg:$0x5] =	wrdreg s25  }
0xc: {  	s9 =	ssub.s32 $0x2, s3;
	s11 =	sshll.u32 s3, $0x4;
	s3 =	smul.u32 $0x5000, s3  }
0xd: {  	s25 =	simm.s32 $0x3;
	s10 =	sshrl.u32 s9, $0x1;
	s26 =	sor.u32 s13, s11  }
0xe: {  	s29 =	sshrl.u32 s12, $0x2;
	s8 =	sadd.s32 s8, s7;
	s14 =	ssub.s32 s9, s10  }
0xf: {  	s11 =	smul.u32 $0x500, s26;
	s16 =	sadd.s32 s29, s4;
	s15 =	sadd.s32 s15, s3  }
0x10: {  	s26 =	simm.s32 $0x4;
	s8 =	sshrl.u32 s8, $0x3;
	s14 =	smax.u32 s14, $0x1  }
0x11: {  	s16 =	sshrl.u32 s16, $0x3;
	s2 =	sadd.s32 s8, s2;
	s8 =	sor.u32 $0x1C05, s30  }
0x12: {  	s9 =	sadd.s32 s1, s11;
	s31 =	sor.u32 $0x10, s11;
	s10 =	sadd.s32 s6, s11  }
0x13: {  	s11 =	sadd.s32 s1, s31;
	s12 =	sadd.s32 s6, s31;
	s13 =	sadd.s32 $0x10E00, s2  }
.LBB2_1:
0x14: {  	s2 =	rddreg [dreg:$0x5]  }
0x15: {  	[spmem:s16], [sflag:s8] =	dma.local [hbm:s2], $0x2800  }
0x16: {  	_ =	swait.ge [sflag:s17], $0x2800  }
0x17: {  	[sflag:s17] =	ssyncset.done $0x0  }
0x18: {  	[sflag:s17] =	ssyncadd.s32 $0xFFFFD800  }
0x19: {  	[tilespmem:s5], [sflag:$0x1] =	stream.linear.gather [hbm4b:s9+s5], $0x80, $0x38;
	[tilespmem:$0x1C200] =	vst v63  }
0x1a: {  	_ = 	snop  }
0x1b: {  	[tilespmem:s18], [sflag:$0x1] =	stream.linear.gather [hbm4b:s10+s5], $0x80, $0x38;
	[tilespmem:$0x1C200] =	vst v63  }
0x1c: {  	_ = 	snop  }
0x1d: {  	[tilespmem:s19], [sflag:$0x2] =	stream.linear.gather [hbm4b:s11+s5], $0x80, $0x38;
	[tilespmem:$0x1C200] =	vst v63  }
0x1e: {  	_ = 	snop  }
0x1f: {  	[tilespmem:s20], [sflag:$0x2] =	stream.linear.gather [hbm4b:s12+s5], $0x80, $0x38;
	[tilespmem:$0x1C200] =	vst v63  }
0x20: {  	_ =	swait.ge [sflag:s21], $0x80  }
0x21: {  	[sflag:s21] =	ssyncset.done $0x0  }
0x22: {  	[sflag:s21] =	ssyncadd.s32 $0xFFFFFF80  }
0x23: {  	_ =	swait.ge [sflag:s21], $0x80  }
0x24: {  	[sflag:s21] =	ssyncset.done $0x0  }
0x25: {  	[sflag:s21] =	ssyncadd.s32 $0xFFFFFF80  }
0x26: {  	[tilespmem:s22], [sflag:$0x3] =	stream.indirect.gather [hbm4b:s0+s19], $0x80, s5, s19, $0xb8;
	[tilespmem:$0x1C200] =	vst v63  }
0x27: {  	[bflag:$0x0] =	sbarrier.arrive $0xFFFF  }
0x28: {  	_ =	swait.ge [sflag:s23], $0x80  }
0x29: {  	[sflag:s23] =	ssyncset.done $0x0  }
0x2a: {  	[sflag:s23] =	ssyncadd.s32 $0xFFFFFF80  }
0x2b: {  	_ =	swait.ge [sflag:s23], $0x80  }
0x2c: {  	[sflag:s23] =	ssyncset.done $0x0  }
0x2d: {  	[sflag:s23] =	ssyncadd.s32 $0xFFFFFF80  }
0x2e: {  	[tilespmem:s24], [sflag:$0x4] =	stream.indirect.gather [hbm4b:s0+s19], $0x80, s19, s19, $0xb8;
	[tilespmem:$0x1C200] =	vst v63  }
0x2f: {  	_ =	swait.ge [sflag:s25], $0x4000  }
0x30: {  	s2 =	sadd.s32 $0x30, s15;
	[sflag:s25] =	ssyncset.done $0x0  }
0x31: {  	s3 =	simm.s32 $0x20;
	s29 =	sadd.s32 $0xFFFFFFF0, s2;
	[sflag:s25] =	ssyncadd.s32 $0xFFFFC000  }
0x32: {  	[spmem:s4] =	stream.indirect.scatter.add.f32 [tilespmem:s22], [sflag:$0x5], $0x80, s18, s19, $0xb8;
	[tilespmem:$0x1C200] =	vst v63  }
0x33: {  	s3 =	sand.u32 $0x60, s3;
	s29 =	sand.u32 $0xFFFFF80, s29;
	_ =	swait.ge [sflag:s17], $0x4000  }
0x34: {  	s3 =	sor.u32 s3, s29;
	[sflag:s17] =	ssyncset.done $0x0  }
0x35: {  	s29 =	sadd.s32 s1, s3;
	[sflag:s17] =	ssyncadd.s32 $0xFFFFC000  }
0x36: {  	[tilespmem:s5], [sflag:$0x1] =	stream.linear.gather [hbm4b:s29+s5], $0x80, $0x38;
	[tilespmem:$0x1C200] =	vst v63  }
0x37: {  	s3 =	sadd.s32 s6, s3  }
0x38: {  	[tilespmem:s18], [sflag:$0x1] =	stream.linear.gather [hbm4b:s3+s5], $0x80, $0x38;
	[tilespmem:$0x1C200] =	vst v63  }
0x39: {  	_ =	swait.ge [sflag:s21], $0x80  }
0x3a: {  	[sflag:s21] =	ssyncset.done $0x0  }
0x3b: {  	[sflag:s21] =	ssyncadd.s32 $0xFFFFFF80  }
0x3c: {  	_ =	swait.ge [sflag:s21], $0x80  }
0x3d: {  	[sflag:s21] =	ssyncset.done $0x0  }
0x3e: {  	[sflag:s21] =	ssyncadd.s32 $0xFFFFFF80  }
0x3f: {  	[tilespmem:s22], [sflag:$0x3] =	stream.indirect.gather [hbm4b:s0+s19], $0x80, s5, s19, $0xb8;
	[tilespmem:$0x1C200] =	vst v63  }
0x40: {  	_ =	swait.ge [sflag:s26], $0x4000  }
0x41: {  	[sflag:s26] =	ssyncset.done $0x0  }
0x42: {  	s7 =	simm.s32 $0x30;
	[sflag:s26] =	ssyncadd.s32 $0xFFFFC000  }
0x43: {  	[spmem:s4] =	stream.indirect.scatter.add.f32 [tilespmem:s24], [sflag:$0x5], $0x80, s20, s19, $0xb8;
	[tilespmem:$0x1C200] =	vst v63  }
0x44: {  	s2 =	sand.u32 $0xFFFFF80, s2;
	s3 =	sand.u32 $0x70, s7;
	_ =	swait.ge [sflag:s17], $0x4000  }
0x45: {  	s2 =	sor.u32 s3, s2;
	[sflag:s17] =	ssyncset.done $0x0  }
0x46: {  	s3 =	sadd.s32 s1, s2;
	[sflag:s17] =	ssyncadd.s32 $0xFFFFC000  }
0x47: {  	[tilespmem:s19], [sflag:$0x2] =	stream.linear.gather [hbm4b:s3+s5], $0x80, $0x38;
	[tilespmem:$0x1C200] =	vst v63  }
0x48: {  	s2 =	sadd.s32 s6, s2  }
0x49: {  	[tilespmem:s20], [sflag:$0x2] =	stream.linear.gather [hbm4b:s2+s5], $0x80, $0x38;
	[tilespmem:$0x1C200] =	vst v63  }
0x4a: {  	_ =	swait.ge [sflag:s23], $0x80  }
0x4b: {  	[sflag:s23] =	ssyncset.done $0x0  }
0x4c: {  	[sflag:s23] =	ssyncadd.s32 $0xFFFFFF80  }
0x4d: {  	_ =	swait.ge [sflag:s23], $0x80  }
0x4e: {  	[sflag:s23] =	ssyncset.done $0x0  }
0x4f: {  	s30 =	simm.s32 $0x70;
	s3 =	sadd.s32 $0x50, s15;
	[sflag:s23] =	ssyncadd.s32 $0xFFFFFF80  }
0x50: {  	[tilespmem:s24], [sflag:$0x4] =	stream.indirect.gather [hbm4b:s0+s19], $0x80, s19, s19, $0xb8;
	[tilespmem:$0x1C200] =	vst v63  }
0x51: {  	s7 =	simm.s32 $0x50;
	s29 =	sand.u32 $0xFFFFF80, s3;
	_ =	swait.ge [sflag:s25], $0x4000  }
0x52: {  	s3 =	sadd.s32 $0xFFFFFFF0, s3;
	s2 =	sand.u32 $0x70, s7;
	[sflag:s25] =	ssyncset.done $0x0  }
0x53: {  	s7 =	simm.s32 $0x40;
	s3 =	sand.u32 $0xFFFFF80, s3;
	[sflag:s25] =	ssyncadd.s32 $0xFFFFC000  }
0x54: {  	[spmem:s4] =	stream.indirect.scatter.add.f32 [tilespmem:s22], [sflag:$0x5], $0x80, s18, s19, $0xb8;
	[tilespmem:$0x1C200] =	vst v63  }
0x55: {  	s29 =	sor.u32 s2, s29;
	s31 =	sand.u32 $0x60, s7;
	_ =	swait.ge [sflag:s17], $0x4000  }
.LBB2_2:
0x56: {  	s3 =	sor.u32 s31, s3  }
0x57: {  	[sflag:s17] =	ssyncset.done $0x0;
	s31 =	smov.u32 s30;
	s2 =	sadd.s32 $0x20, s30  }
0x58: {  	p0 =	sne.s32 s30, $0x4F0;
	s30 =	sadd.s32 s1, s3;
	[sflag:s17] =	ssyncadd.s32 $0xFFFFC000  }
0x59: {  	[tilespmem:s5], [sflag:$0x1] =	stream.linear.gather [hbm4b:s30+s5], $0x80, $0x38;
	[tilespmem:$0x1C200] =	vst v63  }
0x5a: {  	s3 =	sadd.s32 s6, s3  }
0x5b: {  	[tilespmem:s18], [sflag:$0x1] =	stream.linear.gather [hbm4b:s3+s5], $0x80, $0x38;
	[tilespmem:$0x1C200] =	vst v63  }
0x5c: {  	_ =	swait.ge [sflag:s21], $0x80  }
0x5d: {  	[sflag:s21] =	ssyncset.done $0x0  }
0x5e: {  	[sflag:s21] =	ssyncadd.s32 $0xFFFFFF80  }
0x5f: {  	_ =	swait.ge [sflag:s21], $0x80  }
0x60: {  	[sflag:s21] =	ssyncset.done $0x0  }
0x61: {  	[sflag:s21] =	ssyncadd.s32 $0xFFFFFF80  }
0x62: {  	[tilespmem:s22], [sflag:$0x3] =	stream.indirect.gather [hbm4b:s0+s19], $0x80, s5, s19, $0xb8;
	[tilespmem:$0x1C200] =	vst v63  }
0x63: {  	_ =	swait.ge [sflag:s26], $0x4000  }
0x64: {  	[sflag:s26] =	ssyncset.done $0x0  }
0x65: {  	[sflag:s26] =	ssyncadd.s32 $0xFFFFC000  }
0x66: {  	[spmem:s4] =	stream.indirect.scatter.add.f32 [tilespmem:s24], [sflag:$0x5], $0x80, s20, s19, $0xb8;
	[tilespmem:$0x1C200] =	vst v63  }
0x67: {  	_ =	swait.ge [sflag:s17], $0x4000  }
0x68: {  	[sflag:s17] =	ssyncset.done $0x0  }
0x69: {  	s3 =	sadd.s32 s1, s29;
	[sflag:s17] =	ssyncadd.s32 $0xFFFFC000  }
0x6a: {  	[tilespmem:s19], [sflag:$0x2] =	stream.linear.gather [hbm4b:s3+s5], $0x80, $0x38;
	[tilespmem:$0x1C200] =	vst v63  }
0x6b: {  	s3 =	sadd.s32 s6, s29  }
0x6c: {  	[tilespmem:s20], [sflag:$0x2] =	stream.linear.gather [hbm4b:s3+s5], $0x80, $0x38;
	[tilespmem:$0x1C200] =	vst v63  }
0x6d: {  	_ =	swait.ge [sflag:s23], $0x80  }
0x6e: {  	[sflag:s23] =	ssyncset.done $0x0  }
0x6f: {  	[sflag:s23] =	ssyncadd.s32 $0xFFFFFF80  }
0x70: {  	_ =	swait.ge [sflag:s23], $0x80  }
0x71: {  	[sflag:s23] =	ssyncset.done $0x0  }
0x72: {  	[sflag:s23] =	ssyncadd.s32 $0xFFFFFF80  }
0x73: {  	[tilespmem:s24], [sflag:$0x4] =	stream.indirect.gather [hbm4b:s0+s19], $0x80, s19, s19, $0xb8;
	[tilespmem:$0x1C200] =	vst v63  }
0x74: {  	s29 =	sand.u32 $0x70, s31;
	_ =	swait.ge [sflag:s25], $0x4000  }
.Ltmp0:
0x75: {  	s3 =	sadd.s32 s31, s15;
	[sflag:s25] =	ssyncset.done $0x0;
	(pc) =	sbr.rel @p0 .LBB2_2-.Ltmp0, $4  }
0x76: {  	s30 =	sadd.s32 $0xFFFFFFF0, s31;
	s7 =	sadd.s32 $0xFFFFFFF0, s3;
	[sflag:s25] =	ssyncadd.s32 $0xFFFFC000  }
0x77: {  	s31 =	sand.u32 $0x60, s30;
	s30 =	sand.u32 $0xFFFFF80, s3;
	s3 =	sand.u32 $0xFFFFF80, s7  }
0x78: {  	[spmem:s4] =	stream.indirect.scatter.add.f32 [tilespmem:s22], [sflag:$0x5], $0x80, s18, s19, $0xb8;
	[tilespmem:$0x1C200] =	vst v63  }
0x79: {  	s29 =	sor.u32 s29, s30;
	s30 =	smov.u32 s2;
	_ =	swait.ge [sflag:s17], $0x4000  }
0x7a: {  	s2 =	sor.u32 s31, s3;
	[sflag:s17] =	ssyncset.done $0x0  }
0x7b: {  	s3 =	sadd.s32 s1, s2;
	[sflag:s17] =	ssyncadd.s32 $0xFFFFC000  }
0x7c: {  	[tilespmem:s5], [sflag:$0x1] =	stream.linear.gather [hbm4b:s3+s5], $0x80, $0x38;
	[tilespmem:$0x1C200] =	vst v63  }
0x7d: {  	s2 =	sadd.s32 s6, s2  }
0x7e: {  	[tilespmem:s18], [sflag:$0x1] =	stream.linear.gather [hbm4b:s2+s5], $0x80, $0x38;
	[tilespmem:$0x1C200] =	vst v63  }
0x7f: {  	_ =	swait.ge [sflag:s21], $0x80  }
0x80: {  	[sflag:s21] =	ssyncset.done $0x0  }
0x81: {  	[sflag:s21] =	ssyncadd.s32 $0xFFFFFF80  }
0x82: {  	_ =	swait.ge [sflag:s21], $0x80  }
0x83: {  	[sflag:s21] =	ssyncset.done $0x0  }
0x84: {  	[sflag:s21] =	ssyncadd.s32 $0xFFFFFF80  }
0x85: {  	[tilespmem:s22], [sflag:$0x3] =	stream.indirect.gather [hbm4b:s0+s19], $0x80, s5, s19, $0xb8;
	[tilespmem:$0x1C200] =	vst v63  }
0x86: {  	_ =	swait.ge [sflag:s26], $0x4000  }
0x87: {  	[sflag:s26] =	ssyncset.done $0x0  }
0x88: {  	[sflag:s26] =	ssyncadd.s32 $0xFFFFC000  }
0x89: {  	[spmem:s4] =	stream.indirect.scatter.add.f32 [tilespmem:s24], [sflag:$0x5], $0x80, s20, s19, $0xb8;
	[tilespmem:$0x1C200] =	vst v63  }
0x8a: {  	_ =	swait.ge [sflag:s17], $0x4000  }
0x8b: {  	[sflag:s17] =	ssyncset.done $0x0  }
0x8c: {  	s30 =	sadd.s32 s1, s29;
	[sflag:s17] =	ssyncadd.s32 $0xFFFFC000  }
0x8d: {  	[tilespmem:s19], [sflag:$0x2] =	stream.linear.gather [hbm4b:s30+s5], $0x80, $0x38;
	[tilespmem:$0x1C200] =	vst v63  }
0x8e: {  	s31 =	sadd.s32 s6, s29  }
0x8f: {  	[tilespmem:s20], [sflag:$0x2] =	stream.linear.gather [hbm4b:s31+s5], $0x80, $0x38;
	[tilespmem:$0x1C200] =	vst v63  }
0x90: {  	_ =	swait.ge [sflag:s23], $0x80  }
0x91: {  	[sflag:s23] =	ssyncset.done $0x0  }
0x92: {  	[sflag:s23] =	ssyncadd.s32 $0xFFFFFF80  }
0x93: {  	_ =	swait.ge [sflag:s23], $0x80  }
0x94: {  	[sflag:s23] =	ssyncset.done $0x0  }
0x95: {  	[sflag:s23] =	ssyncadd.s32 $0xFFFFFF80  }
0x96: {  	[tilespmem:s24], [sflag:$0x4] =	stream.indirect.gather [hbm4b:s0+s19], $0x80, s19, s19, $0xb8;
	[tilespmem:$0x1C200] =	vst v63  }
0x97: {  	_ =	swait.ge [sflag:s25], $0x4000  }
0x98: {  	[sflag:s25] =	ssyncset.done $0x0  }
0x99: {  	[sflag:s25] =	ssyncadd.s32 $0xFFFFC000  }
0x9a: {  	[spmem:s4] =	stream.indirect.scatter.add.f32 [tilespmem:s22], [sflag:$0x5], $0x80, s18, s19, $0xb8;
	[tilespmem:$0x1C200] =	vst v63  }
0x9b: {  	_ =	swait.ge [sflag:s17], $0x4000  }
0x9c: {  	[sflag:s17] =	ssyncset.done $0x0  }
0x9d: {  	[sflag:s17] =	ssyncadd.s32 $0xFFFFC000  }
0x9e: {  	_ =	swait.ge [sflag:s26], $0x4000  }
0x9f: {  	[sflag:s26] =	ssyncset.done $0x0  }
0xa0: {  	[sflag:s26] =	ssyncadd.s32 $0xFFFFC000  }
0xa1: {  	[spmem:s4] =	stream.indirect.scatter.add.f32 [tilespmem:s24], [sflag:$0x5], $0x80, s20, s19, $0xb8;
	[tilespmem:$0x1C200] =	vst v63  }
0xa2: {  	_ =	swait.ge [sflag:s17], $0x4000  }
0xa3: {  	s28 =	sadd.s32 $0x1, s28;
	[sflag:s17] =	ssyncset.done $0x0  }
0xa4: {  	p0 =	sne.s32 s28, s14;
	[sflag:s17] =	ssyncadd.s32 $0xFFFFC000  }
.Ltmp1:
0xa5: {  	[bflag:$0x0] =	sbarrier.arrive $0xFFFF;
	(pc) =	sbr.rel @p0 .LBB2_1-.Ltmp1, $4  }
0xa6: {  	[hbm:s13], [sflag:s8] =	dma.local [spmem:s16], $0x2800  }
0xa7: {  	_ =	swait.ge [sflag:s17], $0x2800  }
0xa8: {  	[sflag:s17] =	ssyncset.done $0x0  }
0xa9: {  	[sflag:s17] =	ssyncadd.s32 $0xFFFFD800  }
0xaa: {  	_ =	sfence.sel $0x180000  }
0xab: {  	[bflag:$0x0] =	sbarrier.arrive $0xFFFF  }
0xac: {  	_ =	strace $0x90000047  }
0xad: {  	s0 =	stileid.u32;
	[bflag:$0x2] =	sbarrier.arrive $0xFFFF  }
0xae: {  	p0 =	sne.s32 s0, $0x0;
	s0 =	rddreg [dreg:$0x4]  }
0xaf: {  	s0 =	sadd.s32 @!p0 $0x100000, s0  }
0xb0: {  	[sflag:s0] =	ssyncadd.tile.s32 @!p0 $0x1;
	_ =	shalt  }
.Lfunc_end2:
_tile_overlayer_lowered:
.L_overlay_start_2:
0xb1: {  	(tag) =	ssettag $0x2  }
0xb2: {  	s0 =	rddreg [dreg:$0x0];
	s2 =	stileid.u32  }
0xb3: {  	s1 =	rddreg [dreg:$0x1];
	p0 =	sne.s32 s2, $0x0  }
0xb4: {  	s3 =	rddreg [dreg:$0x2];
	[bflag:$0x3] =	sbarrier.arrive $0xFFFF;
	s2 =	simm.s32 @!p0 $0x1C05  }
0xb5: {  	[timem:s3], [sflag:s2] =	dma.local @!p0 [hbm:s0], s1  }
0xb6: {  	s0 =	simm.s32 @!p0 $0x5  }
0xb7: {  	_ =	swait.ge @!p0 [sflag:s0], s1  }
0xb8: {  	s1 =	ssub.s32 @!p0 $0x0, s1;
	[sflag:s0] =	ssyncset.done @!p0 $0x0  }
0xb9: {  	[sflag:s0] =	ssyncadd.s32 @!p0 s1  }
0xba: {  	[bflag:$0x3] =	sbarrier.arrive $0xFFFF  }
0xbb: {  	_ =	shalt  }

</sc_bundles>
